<compile_context>
chip_gen: v7x
topology: tpu7x:2x2x1
jax: 0.10.2.dev20260603
libtpu: 0.0.44.dev20260713+nightly
codegen_flags: <defaults>
</compile_context>

<pallas_src>
import functools

import jax
import jax.numpy as jnp
from jax import lax
from jax.experimental import pallas as pl
from jax.experimental.pallas import tpu as pltpu
from jax.experimental.pallas import tpu_sc as plsc

N = 10000
E = 320000
D_FEAT = 128
MAX_TYPE = 16
MAX_SIZE = 64
HID = 128
OUT = 32
EMB = 64

NC, NS = 2, 16
NW = NC * NS
K = 128
NB = 80
E_PAD = NW * NB * K
NR = 10016
RPT = NR // NS
GPT = N // NS
DW = 32

MB = 2000
GRID = N // MB


def _sc_body_common(with_deg, g_hbm, src_hbm, dst_hbm, zero_hbm, zerod_hbm,
                    ones_hbm, out_hbm, outd_hbm,
                    src_v, dst_v, rows0, rows1, ones_v, g_sh, acc_sh, deg_sh,
                    sem_g, sem_s, sem_d):
    c = lax.axis_index("c")
    s = lax.axis_index("s")
    wid = c * NS + s

    pltpu.sync_copy(g_hbm.at[pl.ds(s * GPT, GPT)], g_sh.at[pl.ds(s * GPT, GPT)])
    pltpu.sync_copy(zero_hbm, acc_sh.at[pl.ds(s * RPT, RPT)])
    if with_deg:
        pltpu.sync_copy(zerod_hbm, deg_sh.at[pl.ds(s * RPT, RPT)])
        pltpu.sync_copy(ones_hbm, ones_v)
    plsc.subcore_barrier()

    pltpu.sync_copy(src_hbm.at[wid], src_v)
    pltpu.sync_copy(dst_hbm.at[wid], dst_v)

    rows = (rows0, rows1)
    pltpu.async_copy(g_sh.at[src_v.at[0]], rows0, sem_g)

    def body(j2, carry):
        for t in range(2):
            j = j2 * 2 + t
            buf = rows[t]
            other = rows[1 - t]
            pltpu.make_async_copy(g_sh.at[src_v.at[j]], buf, sem_g).wait()

            @pl.when(j >= 1)
            def _():
                pltpu.make_async_copy(other, acc_sh.at[dst_v.at[j - 1]],
                                      sem_s).wait()

            @pl.when(j + 1 < NB)
            def _():
                pltpu.async_copy(g_sh.at[src_v.at[j + 1]], other, sem_g)

            pltpu.async_copy(buf, acc_sh.at[dst_v.at[j]], sem_s, add=True)
            if with_deg:
                pltpu.async_copy(ones_v, deg_sh.at[dst_v.at[j]], sem_d, add=True)
        return carry

    lax.fori_loop(0, NB // 2, body, 0)
    pltpu.make_async_copy(rows1, acc_sh.at[dst_v.at[NB - 1]], sem_s).wait()
    if with_deg:
        def drain(j, carry):
            pltpu.make_async_copy(ones_v, deg_sh.at[dst_v.at[j]], sem_d).wait()
            return carry
        lax.fori_loop(0, NB, drain, 0)
    plsc.subcore_barrier()

    pltpu.sync_copy(acc_sh.at[pl.ds(s * RPT, RPT)],
                    out_hbm.at[pl.ds(c * NR + s * RPT, RPT)])
    if with_deg:
        pltpu.sync_copy(deg_sh.at[pl.ds(s * RPT, RPT)],
                        outd_hbm.at[pl.ds(c * NR + s * RPT, RPT)])


def _sc_body_deg(g_hbm, src_hbm, dst_hbm, zero_hbm, zerod_hbm, ones_hbm,
                 out_hbm, outd_hbm,
                 src_v, dst_v, rows0, rows1, ones_v, g_sh, acc_sh, deg_sh,
                 sem_g, sem_s, sem_d):
    _sc_body_common(True, g_hbm, src_hbm, dst_hbm, zero_hbm, zerod_hbm,
                    ones_hbm, out_hbm, outd_hbm,
                    src_v, dst_v, rows0, rows1, ones_v, g_sh, acc_sh, deg_sh,
                    sem_g, sem_s, sem_d)


def _sc_body_nodeg(g_hbm, src_hbm, dst_hbm, zero_hbm, out_hbm,
                   src_v, dst_v, rows0, rows1, g_sh, acc_sh, sem_g, sem_s):
    _sc_body_common(False, g_hbm, src_hbm, dst_hbm, zero_hbm, None, None,
                    out_hbm, None,
                    src_v, dst_v, rows0, rows1, None, g_sh, acc_sh, None,
                    sem_g, sem_s, None)


@functools.lru_cache(maxsize=2)
def _sc_segsum(with_deg):
    if with_deg:
        out_type = (jax.ShapeDtypeStruct((NC * NR, HID), jnp.bfloat16),
                    jax.ShapeDtypeStruct((NC * NR, DW), jnp.bfloat16))
    else:
        out_type = jax.ShapeDtypeStruct((NC * NR, HID), jnp.bfloat16)
    scratch = [
        pltpu.VMEM((NB, K), jnp.int32),
        pltpu.VMEM((NB, K), jnp.int32),
        pltpu.VMEM((K, HID), jnp.bfloat16),
        pltpu.VMEM((K, HID), jnp.bfloat16),
    ]
    if with_deg:
        scratch.append(pltpu.VMEM((K, DW), jnp.bfloat16))
    scratch.append(pltpu.VMEM_SHARED((N, HID), jnp.bfloat16))
    scratch.append(pltpu.VMEM_SHARED((NR, HID), jnp.bfloat16))
    if with_deg:
        scratch.append(pltpu.VMEM_SHARED((NR, DW), jnp.bfloat16))
    scratch.extend([pltpu.SemaphoreType.DMA, pltpu.SemaphoreType.DMA])
    if with_deg:
        scratch.append(pltpu.SemaphoreType.DMA)
    return pl.kernel(
        _sc_body_deg if with_deg else _sc_body_nodeg,
        out_type=out_type,
        mesh=plsc.VectorSubcoreMesh(core_axis_name="c", subcore_axis_name="s"),
        scratch_types=scratch,
        compiler_params=pltpu.CompilerParams(use_tc_tiling_on_sc=False),
    )


def _segsum_deg(g, src3, dst3, zeros, zerosd, ones8):
    p, d = _sc_segsum(True)(g, src3, dst3, zeros, zerosd, ones8)
    return p.reshape(NC, NR, HID), d.reshape(NC, NR, DW)


def _segsum(g, src3, dst3, zeros):
    p = _sc_segsum(False)(g, src3, dst3, zeros)
    return p.reshape(NC, NR, HID)


def _tc0_body(x_ref, tid_ref, sid_ref, tt_ref, st_ref, wn_ref, ws_ref,
              g_ref, a_ref):
    xb = x_ref[...]
    oh_t = (lax.broadcasted_iota(jnp.int32, (MB, MAX_TYPE), 1) == tid_ref[...]
            ).astype(jnp.float32)
    te = jnp.dot(oh_t, tt_ref[...], preferred_element_type=jnp.float32)
    oh_s = (lax.broadcasted_iota(jnp.int32, (MB, MAX_SIZE), 1) == sid_ref[...]
            ).astype(jnp.float32)
    se = jnp.dot(oh_s, st_ref[...], preferred_element_type=jnp.float32)
    h0 = jnp.concatenate([xb, te, se], axis=1)
    g = jnp.dot(h0, wn_ref[...], preferred_element_type=jnp.float32)
    g_ref[...] = g.astype(jnp.bfloat16)
    a_ref[...] = jnp.dot(h0, ws_ref[...], preferred_element_type=jnp.float32)


def _tc0(x, tid, sid, tt, st, wn1, ws1):
    return pl.pallas_call(
        _tc0_body,
        grid=(GRID,),
        in_specs=[
            pl.BlockSpec((MB, D_FEAT), lambda i: (i, 0)),
            pl.BlockSpec((MB, 1), lambda i: (i, 0)),
            pl.BlockSpec((MB, 1), lambda i: (i, 0)),
            pl.BlockSpec((MAX_TYPE, 32), lambda i: (0, 0)),
            pl.BlockSpec((MAX_SIZE, 16), lambda i: (0, 0)),
            pl.BlockSpec((176, HID), lambda i: (0, 0)),
            pl.BlockSpec((176, HID), lambda i: (0, 0)),
        ],
        out_specs=[
            pl.BlockSpec((MB, HID), lambda i: (i, 0)),
            pl.BlockSpec((MB, HID), lambda i: (i, 0)),
        ],
        out_shape=[
            jax.ShapeDtypeStruct((N, HID), jnp.bfloat16),
            jax.ShapeDtypeStruct((N, HID), jnp.float32),
        ],
    )(x, tid, sid, tt, st, wn1, ws1)


def _tcmid_first_body(a_ref, p_ref, dg_ref, wn_ref, ws_ref, b_ref,
                      g_ref, a2_ref, dinv_ref):
    pm = p_ref[0].astype(jnp.float32) + p_ref[1].astype(jnp.float32)
    dg = (dg_ref[0, :, 0:1].astype(jnp.float32)
          + dg_ref[1, :, 0:1].astype(jnp.float32))
    dinv = 1.0 / jnp.maximum(dg, 1.0)
    dinv_ref[...] = dinv
    h = jnp.maximum(a_ref[...] + pm * dinv + b_ref[...], 0.0)
    g = jnp.dot(h, wn_ref[...], preferred_element_type=jnp.float32)
    g_ref[...] = g.astype(jnp.bfloat16)
    a2_ref[...] = jnp.dot(h, ws_ref[...], preferred_element_type=jnp.float32)


def _tcmid_next_body(a_ref, p_ref, dinv_in, wn_ref, ws_ref, b_ref,
                     g_ref, a2_ref):
    pm = p_ref[0].astype(jnp.float32) + p_ref[1].astype(jnp.float32)
    h = jnp.maximum(a_ref[...] + pm * dinv_in[...] + b_ref[...], 0.0)
    g = jnp.dot(h, wn_ref[...], preferred_element_type=jnp.float32)
    g_ref[...] = g.astype(jnp.bfloat16)
    a2_ref[...] = jnp.dot(h, ws_ref[...], preferred_element_type=jnp.float32)


_P_SPEC = pl.BlockSpec((NC, MB, HID), lambda i: (0, i, 0))
_DG_SPEC = pl.BlockSpec((NC, MB, DW), lambda i: (0, i, 0))
_A_SPEC = pl.BlockSpec((MB, HID), lambda i: (i, 0))
_GB_SPEC = pl.BlockSpec((MB, HID), lambda i: (i, 0))
_W_SPEC = pl.BlockSpec((HID, HID), lambda i: (0, 0))
_B_SPEC = pl.BlockSpec((1, HID), lambda i: (0, 0))
_DINV_SPEC = pl.BlockSpec((MB, 1), lambda i: (i, 0))


def _tcmid_first(a, p, dg, wn, ws, b):
    return pl.pallas_call(
        _tcmid_first_body,
        grid=(GRID,),
        in_specs=[_A_SPEC, _P_SPEC, _DG_SPEC, _W_SPEC, _W_SPEC, _B_SPEC],
        out_specs=[_GB_SPEC, _A_SPEC, _DINV_SPEC],
        out_shape=[
            jax.ShapeDtypeStruct((N, HID), jnp.bfloat16),
            jax.ShapeDtypeStruct((N, HID), jnp.float32),
            jax.ShapeDtypeStruct((N, 1), jnp.float32),
        ],
    )(a, p, dg, wn, ws, b)


def _tcmid_next(a, p, dinv, wn, ws, b):
    return pl.pallas_call(
        _tcmid_next_body,
        grid=(GRID,),
        in_specs=[_A_SPEC, _P_SPEC, _DINV_SPEC, _W_SPEC, _W_SPEC, _B_SPEC],
        out_specs=[_GB_SPEC, _A_SPEC],
        out_shape=[
            jax.ShapeDtypeStruct((N, HID), jnp.bfloat16),
            jax.ShapeDtypeStruct((N, HID), jnp.float32),
        ],
    )(a, p, dinv, wn, ws, b)


def _tc_final_body(a_ref, p_ref, dinv_ref, b_ref,
                   pw1_ref, pb1_ref, pw2_ref, pb2_ref,
                   qw1_ref, qb1_ref, qw2_ref, qb2_ref,
                   yhat_ref, z_ref, cs_ref):
    i = pl.program_id(0)
    pm = p_ref[0].astype(jnp.float32) + p_ref[1].astype(jnp.float32)
    h = jnp.maximum(a_ref[...] + pm * dinv_ref[...] + b_ref[...], 0.0)
    csum = jnp.sum(h, axis=0, keepdims=True)

    @pl.when(i == 0)
    def _():
        cs_ref[...] = csum

    @pl.when(i > 0)
    def _():
        cs_ref[...] = cs_ref[...] + csum

    @pl.when(i == GRID - 1)
    def _():
        hg = cs_ref[...] * (1.0 / N)
        t = jnp.maximum(
            jnp.dot(hg, pw1_ref[...], preferred_element_type=jnp.float32)
            + pb1_ref[...], 0.0)
        yhat_ref[...] = (jnp.dot(t, pw2_ref[...], preferred_element_type=jnp.float32)
                         + pb2_ref[...])
        u = jnp.maximum(
            jnp.dot(hg, qw1_ref[...], preferred_element_type=jnp.float32)
            + qb1_ref[...], 0.0)
        z = (jnp.dot(u, qw2_ref[...], preferred_element_type=jnp.float32)
             + qb2_ref[...])
        nrm = jnp.sqrt(jnp.sum(z * z, axis=1, keepdims=True))
        z_ref[...] = z / jnp.maximum(nrm, 1e-12)


def _tc_final(a, p, dinv, b, pw1, pb1, pw2, pb2, qw1, qb1, qw2, qb2):
    full = lambda shape: pl.BlockSpec(shape, lambda i: tuple(0 for _ in shape))
    return pl.pallas_call(
        _tc_final_body,
        grid=(GRID,),
        in_specs=[_A_SPEC, _P_SPEC, _DINV_SPEC, _B_SPEC,
                  full((HID, HID)), full((1, HID)), full((HID, OUT)), full((1, OUT)),
                  full((HID, EMB)), full((1, EMB)), full((EMB, EMB)), full((1, EMB))],
        out_specs=[full((1, OUT)), full((1, EMB))],
        out_shape=[
            jax.ShapeDtypeStruct((1, OUT), jnp.float32),
            jax.ShapeDtypeStruct((1, EMB), jnp.float32),
        ],
        scratch_shapes=[pltpu.VMEM((1, HID), jnp.float32)],
    )(a, p, dinv, b, pw1, pb1, pw2, pb2, qw1, qb1, qw2, qb2)


def kernel(x, type_id, size_id, edge_index, type_table, size_table,
           Ws1, Wn1, b1, Ws2, Wn2, b2, Ws3, Wn3, b3,
           pW1, pb1, pW2, pb2, qW1, qb1, qW2, qb2):
    src = edge_index[0].astype(jnp.int32)
    dst = edge_index[1].astype(jnp.int32)
    src3 = jnp.pad(src, (0, E_PAD - E)).reshape(NW, NB, K)
    dst3 = jnp.pad(dst, (0, E_PAD - E), constant_values=N).reshape(NW, NB, K)
    zeros = jnp.zeros((RPT, HID), jnp.bfloat16)
    zerosd = jnp.zeros((RPT, DW), jnp.bfloat16)
    ones8 = jnp.ones((K, DW), jnp.bfloat16)
    tid = type_id.astype(jnp.int32).reshape(N, 1)
    sid = size_id.astype(jnp.int32).reshape(N, 1)
    b1r = b1.reshape(1, HID)
    b2r = b2.reshape(1, HID)
    b3r = b3.reshape(1, HID)

    g1, a1 = _tc0(x, tid, sid, type_table, size_table, Wn1, Ws1)
    p1, dg = _segsum_deg(g1, src3, dst3, zeros, zerosd, ones8)
    g2, a2, dinv = _tcmid_first(a1, p1, dg, Wn2, Ws2, b1r)
    p2 = _segsum(g2, src3, dst3, zeros)
    g3, a3 = _tcmid_next(a2, p2, dinv, Wn3, Ws3, b2r)
    p3 = _segsum(g3, src3, dst3, zeros)
    yhat, z = _tc_final(a3, p3, dinv, b3r,
                        pW1, pb1.reshape(1, HID), pW2, pb2.reshape(1, OUT),
                        qW1, qb1.reshape(1, EMB), qW2, qb2.reshape(1, EMB))
    return (yhat, z)

# --- scband reference (transcript-rebuilt; emitter-appended) ---
"""Pipeline reference for scband-student3-hop-encoder-20727512170565 (READ-ONLY COPY).

The authoritative reference and input builder live on the scoring server;
editing this copy changes nothing except your own understanding.
"""

import jax, jax.numpy as jnp
import numpy as np

N = 10000
E = 320000
D_FEAT = 128
MAX_TYPE = 16
MAX_SIZE = 64
TYPE_EMB = 32
SIZE_EMB = 16
HID = 128
EMB = 64
OUT = 32
IN_DIM = D_FEAT + TYPE_EMB + SIZE_EMB


def setup_inputs(seed: int = 0) -> dict:
    key = jax.random.key(seed)
    ks = jax.random.split(key, 24)

    def lin(k, fi, fo):
        return (jax.random.normal(k, (fi, fo), dtype=jnp.float32) / np.sqrt(fi)).astype(jnp.float32)

    inp = {}
    inp['x'] = jax.random.normal(ks[0], (N, D_FEAT), dtype=jnp.float32)
    inp['type_id'] = jax.random.randint(ks[1], (N,), 0, MAX_TYPE)
    inp['size_id'] = jax.random.randint(ks[2], (N,), 0, MAX_SIZE)
    inp['edge_index'] = jax.random.randint(ks[3], (2, E), 0, N)
    inp['type_table'] = jax.random.normal(ks[4], (MAX_TYPE, TYPE_EMB), dtype=jnp.float32) * 0.02
    inp['size_table'] = jax.random.normal(ks[5], (MAX_SIZE, SIZE_EMB), dtype=jnp.float32) * 0.02
    inp['Ws1'] = lin(ks[6], IN_DIM, HID); inp['Wn1'] = lin(ks[7], IN_DIM, HID); inp['b1'] = jnp.zeros((HID,), jnp.float32)
    inp['Ws2'] = lin(ks[8], HID, HID); inp['Wn2'] = lin(ks[9], HID, HID); inp['b2'] = jnp.zeros((HID,), jnp.float32)
    inp['Ws3'] = lin(ks[10], HID, HID); inp['Wn3'] = lin(ks[11], HID, HID); inp['b3'] = jnp.zeros((HID,), jnp.float32)
    inp['pW1'] = lin(ks[12], HID, HID); inp['pb1'] = jnp.zeros((HID,), jnp.float32)
    inp['pW2'] = lin(ks[13], HID, OUT); inp['pb2'] = jnp.zeros((OUT,), jnp.float32)
    inp['qW1'] = lin(ks[14], HID, EMB); inp['qb1'] = jnp.zeros((EMB,), jnp.float32)
    inp['qW2'] = lin(ks[15], EMB, EMB); inp['qb2'] = jnp.zeros((EMB,), jnp.float32)
    return inp


def reference(x, type_id, size_id, edge_index, type_table, size_table,
              Ws1, Wn1, b1, Ws2, Wn2, b2, Ws3, Wn3, b3,
              pW1, pb1, pW2, pb2, qW1, qb1, qW2, qb2):
    # NodeFeatureBuilder: raw feats + type/size embedding lookups
    h = jnp.concatenate([x, jnp.take(type_table, type_id, axis=0), jnp.take(size_table, size_id, axis=0)], axis=-1)
    src = edge_index[0]
    dst = edge_index[1]
    n = x.shape[0]
    deg = jax.ops.segment_sum(jnp.ones((src.shape[0],), jnp.float32), dst, num_segments=n)
    deg = jnp.maximum(deg, 1.0)[:, None]

    def sage_layer(h, Ws, Wn, b):
        agg = jax.ops.segment_sum(jnp.take(h, src, axis=0), dst, num_segments=n) / deg
        return jax.nn.relu(h @ Ws + agg @ Wn + b)

    # LocalGNN: 3-hop GraphSAGE-mean (dropout=0 / eval mode)
    h = sage_layer(h, Ws1, Wn1, b1)
    h = sage_layer(h, Ws2, Wn2, b2)
    h = sage_layer(h, Ws3, Wn3, b3)
    # dgl.mean_nodes over a single-graph batch -> [1, HID]
    hg = jnp.mean(h, axis=0, keepdims=True)
    # pred MLP
    yhat = jax.nn.relu(hg @ pW1 + pb1) @ pW2 + pb2
    # proj + L2 normalize
    z = jax.nn.relu(hg @ qW1 + qb1) @ qW2 + qb2
    z = z / jnp.maximum(jnp.linalg.norm(z, axis=-1, keepdims=True), 1e-12)
    return (yhat, z)

if __name__ == "__main__":
    import jax
    _d = setup_inputs()
    print(jax.jit(kernel)(*tuple(_d.values())))

</pallas_src>

<mosaic_0001>
#map = affine_map<(d0, d1) -> (0, 0)>
#map1 = affine_map<(d0, d1) -> (0, 0, 0)>
module attributes {stable_mosaic.version = 14 : i64} {
  func.func @_sc_body_deg(%arg0: i32, %arg1: i32, %arg2: memref<10000x128xbf16, #tpu.memory_space<hbm>>, %arg3: memref<32x80x128xi32, #tpu.memory_space<hbm>>, %arg4: memref<32x80x128xi32, #tpu.memory_space<hbm>>, %arg5: memref<626x128xbf16, #tpu.memory_space<hbm>>, %arg6: memref<626x32xbf16, #tpu.memory_space<hbm>>, %arg7: memref<128x32xbf16, #tpu.memory_space<hbm>>, %arg8: memref<20032x128xbf16, #tpu.memory_space<hbm>>, %arg9: memref<20032x32xbf16, #tpu.memory_space<hbm>>, %arg10: memref<80x128xi32, #tpu.memory_space<vmem>>, %arg11: memref<80x128xi32, #tpu.memory_space<vmem>>, %arg12: memref<128x128xbf16, #tpu.memory_space<vmem>>, %arg13: memref<128x128xbf16, #tpu.memory_space<vmem>>, %arg14: memref<128x32xbf16, #tpu.memory_space<vmem>>, %arg15: memref<10000x128xbf16, #tpu.memory_space<vmem_shared>>, %arg16: memref<10016x128xbf16, #tpu.memory_space<vmem_shared>>, %arg17: memref<10016x32xbf16, #tpu.memory_space<vmem_shared>>, %arg18: memref<!tpu.dma_semaphore, #tpu.memory_space<semaphore_mem>>, %arg19: memref<!tpu.dma_semaphore, #tpu.memory_space<semaphore_mem>>, %arg20: memref<!tpu.dma_semaphore, #tpu.memory_space<semaphore_mem>>) attributes {dimension_semantics = [#tpu.dimension_semantics<core_parallel>, #tpu.dimension_semantics<subcore_parallel>], iteration_bounds = array<i64: 2, 16>, scalar_prefetch = 0 : i64, scratch_operands = 11 : i64, tpu.core_type = #tpu.core_type<sc_vector_subcore>, window_params = [{transform_indices = #map}, {transform_indices = #map1}, {transform_indices = #map1}, {transform_indices = #map}, {transform_indices = #map}, {transform_indices = #map}, {transform_indices = #map}, {transform_indices = #map}]} {
    %mul3A = arith.constant 16 : i32
    %mul3A_0 = arith.muli %arg0, %mul3A : i32
    %add3A = arith.addi %mul3A_0, %arg1 : i32
    %mul3A_1 = arith.constant 625 : i32
    %mul3A_2 = arith.muli %arg1, %mul3A_1 : i32
    %mul3A_3 = arith.constant 625 : i32
    %mul3A_4 = arith.muli %arg1, %mul3A_3 : i32
    "tpu.region"() ({
      %run_scoped3A = tpu.sem_alloc : memref<!tpu.dma_semaphore, #tpu.memory_space<semaphore_mem>>
      %dma_start3A_47 = arith.constant 0 : i32
      %dma_start3A_48 = tpu.memref_slice %arg15[%mul3A_4, %dma_start3A_47] : memref<10000x128xbf16, #tpu.memory_space<vmem_shared>> -> memref<625x128xbf16, #tpu.memory_space<vmem_shared>>
      %dma_start3A_49 = arith.constant 0 : i32
      %dma_start3A_50 = tpu.memref_slice %arg2[%mul3A_2, %dma_start3A_49] : memref<10000x128xbf16, #tpu.memory_space<hbm>> -> memref<625x128xbf16, #tpu.memory_space<hbm>>
      tpu.enqueue_dma source(%dma_start3A_50 : memref<625x128xbf16, #tpu.memory_space<hbm>>) target(%dma_start3A_48 : memref<625x128xbf16, #tpu.memory_space<vmem_shared>>) target_semaphore(%run_scoped3A : memref<!tpu.dma_semaphore, #tpu.memory_space<semaphore_mem>>)
      %dma_wait3A_51 = arith.constant 0 : i32
      %dma_wait3A_52 = tpu.memref_slice %arg15[%mul3A_4, %dma_wait3A_51] : memref<10000x128xbf16, #tpu.memory_space<vmem_shared>> -> memref<625x128xbf16, #tpu.memory_space<vmem_shared>>
      %dma_wait3A_53 = arith.constant 0 : i32
      %dma_wait3A_54 = tpu.memref_slice %arg2[%mul3A_2, %dma_wait3A_53] : memref<10000x128xbf16, #tpu.memory_space<hbm>> -> memref<625x128xbf16, #tpu.memory_space<hbm>>
      tpu.wait_dma2 semaphore(%run_scoped3A : memref<!tpu.dma_semaphore, #tpu.memory_space<semaphore_mem>>) src(%dma_wait3A_54 : memref<625x128xbf16, #tpu.memory_space<hbm>>) dst(%dma_wait3A_52 : memref<625x128xbf16, #tpu.memory_space<vmem_shared>>)
      tpu.yield
    }) : () -> ()
    %mul3A_5 = arith.constant 626 : i32
    %mul3A_6 = arith.muli %arg1, %mul3A_5 : i32
    "tpu.region"() ({
      %run_scoped3A = tpu.sem_alloc : memref<!tpu.dma_semaphore, #tpu.memory_space<semaphore_mem>>
      %dma_start3A_47 = arith.constant 0 : i32
      %dma_start3A_48 = tpu.memref_slice %arg16[%mul3A_6, %dma_start3A_47] : memref<10016x128xbf16, #tpu.memory_space<vmem_shared>> -> memref<626x128xbf16, #tpu.memory_space<vmem_shared>>
      tpu.enqueue_dma source(%arg5 : memref<626x128xbf16, #tpu.memory_space<hbm>>) target(%dma_start3A_48 : memref<626x128xbf16, #tpu.memory_space<vmem_shared>>) target_semaphore(%run_scoped3A : memref<!tpu.dma_semaphore, #tpu.memory_space<semaphore_mem>>)
      %dma_wait3A_49 = arith.constant 0 : i32
      %dma_wait3A_50 = tpu.memref_slice %arg16[%mul3A_6, %dma_wait3A_49] : memref<10016x128xbf16, #tpu.memory_space<vmem_shared>> -> memref<626x128xbf16, #tpu.memory_space<vmem_shared>>
      tpu.wait_dma2 semaphore(%run_scoped3A : memref<!tpu.dma_semaphore, #tpu.memory_space<semaphore_mem>>) src(%arg5 : memref<626x128xbf16, #tpu.memory_space<hbm>>) dst(%dma_wait3A_50 : memref<626x128xbf16, #tpu.memory_space<vmem_shared>>)
      tpu.yield
    }) : () -> ()
    %mul3A_7 = arith.constant 626 : i32
    %mul3A_8 = arith.muli %arg1, %mul3A_7 : i32
    "tpu.region"() ({
      %run_scoped3A = tpu.sem_alloc : memref<!tpu.dma_semaphore, #tpu.memory_space<semaphore_mem>>
      %dma_start3A_47 = arith.constant 0 : i32
      %dma_start3A_48 = tpu.memref_slice %arg17[%mul3A_8, %dma_start3A_47] : memref<10016x32xbf16, #tpu.memory_space<vmem_shared>> -> memref<626x32xbf16, #tpu.memory_space<vmem_shared>>
      tpu.enqueue_dma source(%arg6 : memref<626x32xbf16, #tpu.memory_space<hbm>>) target(%dma_start3A_48 : memref<626x32xbf16, #tpu.memory_space<vmem_shared>>) target_semaphore(%run_scoped3A : memref<!tpu.dma_semaphore, #tpu.memory_space<semaphore_mem>>)
      %dma_wait3A_49 = arith.constant 0 : i32
      %dma_wait3A_50 = tpu.memref_slice %arg17[%mul3A_8, %dma_wait3A_49] : memref<10016x32xbf16, #tpu.memory_space<vmem_shared>> -> memref<626x32xbf16, #tpu.memory_space<vmem_shared>>
      tpu.wait_dma2 semaphore(%run_scoped3A : memref<!tpu.dma_semaphore, #tpu.memory_space<semaphore_mem>>) src(%arg6 : memref<626x32xbf16, #tpu.memory_space<hbm>>) dst(%dma_wait3A_50 : memref<626x32xbf16, #tpu.memory_space<vmem_shared>>)
      tpu.yield
    }) : () -> ()
    "tpu.region"() ({
      %run_scoped3A = tpu.sem_alloc : memref<!tpu.dma_semaphore, #tpu.memory_space<semaphore_mem>>
      tpu.enqueue_dma source(%arg7 : memref<128x32xbf16, #tpu.memory_space<hbm>>) target(%arg14 : memref<128x32xbf16, #tpu.memory_space<vmem>>) target_semaphore(%run_scoped3A : memref<!tpu.dma_semaphore, #tpu.memory_space<semaphore_mem>>)
      tpu.wait_dma2 semaphore(%run_scoped3A : memref<!tpu.dma_semaphore, #tpu.memory_space<semaphore_mem>>) src(%arg7 : memref<128x32xbf16, #tpu.memory_space<hbm>>) dst(%arg14 : memref<128x32xbf16, #tpu.memory_space<vmem>>)
      tpu.yield
    }) : () -> ()
    %barrier3A = arith.constant 0 : index
    tpu.barrier barrier_id(%barrier3A)
    "tpu.region"() ({
      %run_scoped3A = tpu.sem_alloc : memref<!tpu.dma_semaphore, #tpu.memory_space<semaphore_mem>>
      %dma_start3A_47 = arith.constant 0 : i32
      %dma_start3A_48 = arith.constant 0 : i32
      %dma_start3A_49 = tpu.memref_slice %arg3[%add3A, %dma_start3A_47, %dma_start3A_48] : memref<32x80x128xi32, #tpu.memory_space<hbm>> -> memref<1x80x128xi32, #tpu.memory_space<hbm>>
      %dma_start3A_50 = tpu.memref_squeeze %dma_start3A_49 : memref<1x80x128xi32, #tpu.memory_space<hbm>> -> memref<80x128xi32, #tpu.memory_space<hbm>>
      %dma_start3A_51 = arith.constant 0 : i32
      %dma_start3A_52 = arith.constant 0 : i32
      %dma_start3A_53 = tpu.memref_slice %arg3[%add3A, %dma_start3A_51, %dma_start3A_52] : memref<32x80x128xi32, #tpu.memory_space<hbm>> -> memref<1x80x128xi32, #tpu.memory_space<hbm>>
      %dma_start3A_54 = tpu.memref_squeeze %dma_start3A_53 : memref<1x80x128xi32, #tpu.memory_space<hbm>> -> memref<80x128xi32, #tpu.memory_space<hbm>>
      tpu.enqueue_dma source(%dma_start3A_54 : memref<80x128xi32, #tpu.memory_space<hbm>>) target(%arg10 : memref<80x128xi32, #tpu.memory_space<vmem>>) target_semaphore(%run_scoped3A : memref<!tpu.dma_semaphore, #tpu.memory_space<semaphore_mem>>)
      %dma_wait3A_55 = arith.constant 0 : i32
      %dma_wait3A_56 = arith.constant 0 : i32
      %dma_wait3A_57 = tpu.memref_slice %arg3[%add3A, %dma_wait3A_55, %dma_wait3A_56] : memref<32x80x128xi32, #tpu.memory_space<hbm>> -> memref<1x80x128xi32, #tpu.memory_space<hbm>>
      %dma_wait3A_58 = tpu.memref_squeeze %dma_wait3A_57 : memref<1x80x128xi32, #tpu.memory_space<hbm>> -> memref<80x128xi32, #tpu.memory_space<hbm>>
      %dma_wait3A_59 = arith.constant 0 : i32
      %dma_wait3A_60 = arith.constant 0 : i32
      %dma_wait3A_61 = tpu.memref_slice %arg3[%add3A, %dma_wait3A_59, %dma_wait3A_60] : memref<32x80x128xi32, #tpu.memory_space<hbm>> -> memref<1x80x128xi32, #tpu.memory_space<hbm>>
      %dma_wait3A_62 = tpu.memref_squeeze %dma_wait3A_61 : memref<1x80x128xi32, #tpu.memory_space<hbm>> -> memref<80x128xi32, #tpu.memory_space<hbm>>
      tpu.wait_dma2 semaphore(%run_scoped3A : memref<!tpu.dma_semaphore, #tpu.memory_space<semaphore_mem>>) src(%dma_wait3A_62 : memref<80x128xi32, #tpu.memory_space<hbm>>) dst(%arg10 : memref<80x128xi32, #tpu.memory_space<vmem>>)
      tpu.yield
    }) : () -> ()
    "tpu.region"() ({
      %run_scoped3A = tpu.sem_alloc : memref<!tpu.dma_semaphore, #tpu.memory_space<semaphore_mem>>
      %dma_start3A_47 = arith.constant 0 : i32
      %dma_start3A_48 = arith.constant 0 : i32
      %dma_start3A_49 = tpu.memref_slice %arg4[%add3A, %dma_start3A_47, %dma_start3A_48] : memref<32x80x128xi32, #tpu.memory_space<hbm>> -> memref<1x80x128xi32, #tpu.memory_space<hbm>>
      %dma_start3A_50 = tpu.memref_squeeze %dma_start3A_49 : memref<1x80x128xi32, #tpu.memory_space<hbm>> -> memref<80x128xi32, #tpu.memory_space<hbm>>
      %dma_start3A_51 = arith.constant 0 : i32
      %dma_start3A_52 = arith.constant 0 : i32
      %dma_start3A_53 = tpu.memref_slice %arg4[%add3A, %dma_start3A_51, %dma_start3A_52] : memref<32x80x128xi32, #tpu.memory_space<hbm>> -> memref<1x80x128xi32, #tpu.memory_space<hbm>>
      %dma_start3A_54 = tpu.memref_squeeze %dma_start3A_53 : memref<1x80x128xi32, #tpu.memory_space<hbm>> -> memref<80x128xi32, #tpu.memory_space<hbm>>
      tpu.enqueue_dma source(%dma_start3A_54 : memref<80x128xi32, #tpu.memory_space<hbm>>) target(%arg11 : memref<80x128xi32, #tpu.memory_space<vmem>>) target_semaphore(%run_scoped3A : memref<!tpu.dma_semaphore, #tpu.memory_space<semaphore_mem>>)
      %dma_wait3A_55 = arith.constant 0 : i32
      %dma_wait3A_56 = arith.constant 0 : i32
      %dma_wait3A_57 = tpu.memref_slice %arg4[%add3A, %dma_wait3A_55, %dma_wait3A_56] : memref<32x80x128xi32, #tpu.memory_space<hbm>> -> memref<1x80x128xi32, #tpu.memory_space<hbm>>
      %dma_wait3A_58 = tpu.memref_squeeze %dma_wait3A_57 : memref<1x80x128xi32, #tpu.memory_space<hbm>> -> memref<80x128xi32, #tpu.memory_space<hbm>>
      %dma_wait3A_59 = arith.constant 0 : i32
      %dma_wait3A_60 = arith.constant 0 : i32
      %dma_wait3A_61 = tpu.memref_slice %arg4[%add3A, %dma_wait3A_59, %dma_wait3A_60] : memref<32x80x128xi32, #tpu.memory_space<hbm>> -> memref<1x80x128xi32, #tpu.memory_space<hbm>>
      %dma_wait3A_62 = tpu.memref_squeeze %dma_wait3A_61 : memref<1x80x128xi32, #tpu.memory_space<hbm>> -> memref<80x128xi32, #tpu.memory_space<hbm>>
      tpu.wait_dma2 semaphore(%run_scoped3A : memref<!tpu.dma_semaphore, #tpu.memory_space<semaphore_mem>>) src(%dma_wait3A_62 : memref<80x128xi32, #tpu.memory_space<hbm>>) dst(%arg11 : memref<80x128xi32, #tpu.memory_space<vmem>>)
      tpu.yield
    }) : () -> ()
    %dma_start3A = arith.constant 0 : i32
    %dma_start3A_9 = arith.constant 0 : i32
    %dma_start3A_10 = tpu.memref_slice %arg10[%dma_start3A, %dma_start3A_9] : memref<80x128xi32, #tpu.memory_space<vmem>> -> memref<1x128xi32, #tpu.memory_space<vmem>>
    %dma_start3A_11 = tpu.memref_squeeze %dma_start3A_10 : memref<1x128xi32, #tpu.memory_space<vmem>> -> memref<128xi32, #tpu.memory_space<vmem>>
    %dma_start3A_12 = arith.constant 0 : i32
    %dma_start3A_13 = arith.constant 0 : i32
    %dma_start3A_14 = tpu.memref_slice %arg15[%dma_start3A_12, %dma_start3A_13] : memref<10000x128xbf16, #tpu.memory_space<vmem_shared>> -> memref<10000x128xbf16, #tpu.memory_space<vmem_shared>>
    tpu.enqueue_indirect_dma source(%dma_start3A_14 : memref<10000x128xbf16, #tpu.memory_space<vmem_shared>>) target(%arg12 : memref<128x128xbf16, #tpu.memory_space<vmem>>) offsets(%dma_start3A_11 : memref<128xi32, #tpu.memory_space<vmem>>) semaphore(%arg18 : memref<!tpu.dma_semaphore, #tpu.memory_space<semaphore_mem>>)
    %scan3A = arith.constant 0 : i32
    %scan3A_15 = arith.constant 0 : i32
    %scan3A_16 = arith.constant 40 : i32
    %scan3A_17 = arith.addi %scan3A_15, %scan3A_16 : i32
    %scan3A_18 = arith.constant 1 : i32
    scf.for %scan3A_47 = %scan3A_15 to %scan3A_17 step %scan3A_18  : i32 {
      %mul3A_48 = arith.constant 2 : i32
      %mul3A_49 = arith.muli %scan3A_47, %mul3A_48 : i32
      %add3A_50 = arith.constant 0 : i32
      %add3A_51 = arith.addi %mul3A_49, %add3A_50 : i32
      %dma_wait3A_52 = arith.constant 0 : i32
      %dma_wait3A_53 = tpu.memref_slice %arg10[%add3A_51, %dma_wait3A_52] : memref<80x128xi32, #tpu.memory_space<vmem>> -> memref<1x128xi32, #tpu.memory_space<vmem>>
      %dma_wait3A_54 = tpu.memref_squeeze %dma_wait3A_53 : memref<1x128xi32, #tpu.memory_space<vmem>> -> memref<128xi32, #tpu.memory_space<vmem>>
      %dma_wait3A_55 = arith.constant 0 : i32
      %dma_wait3A_56 = arith.constant 0 : i32
      %dma_wait3A_57 = tpu.memref_slice %arg15[%dma_wait3A_55, %dma_wait3A_56] : memref<10000x128xbf16, #tpu.memory_space<vmem_shared>> -> memref<10000x128xbf16, #tpu.memory_space<vmem_shared>>
      tpu.wait_indirect_dma semaphore(%arg18 : memref<!tpu.dma_semaphore, #tpu.memory_space<semaphore_mem>>) src(%dma_wait3A_57 : memref<10000x128xbf16, #tpu.memory_space<vmem_shared>>) dst(%arg12 : memref<128x128xbf16, #tpu.memory_space<vmem>>)
      %ge3A = arith.constant 1 : i32
      %ge3A_58 = arith.cmpi sge, %add3A_51, %ge3A : i32
      %convert_element_type3A = arith.extui %ge3A_58 : i1 to i32
      %cond3A = arith.constant 0 : i32
      %cond3A_59 = arith.cmpi ne, %convert_element_type3A, %cond3A : i32
      scf.if %cond3A_59 {
        %sub3A = arith.constant 1 : i32
        %sub3A_112 = arith.subi %add3A_51, %sub3A : i32
        %dma_wait3A_113 = arith.constant 0 : i32
        %dma_wait3A_114 = tpu.memref_slice %arg11[%sub3A_112, %dma_wait3A_113] : memref<80x128xi32, #tpu.memory_space<vmem>> -> memref<1x128xi32, #tpu.memory_space<vmem>>
        %dma_wait3A_115 = tpu.memref_squeeze %dma_wait3A_114 : memref<1x128xi32, #tpu.memory_space<vmem>> -> memref<128xi32, #tpu.memory_space<vmem>>
        %dma_wait3A_116 = arith.constant 0 : i32
        %dma_wait3A_117 = arith.constant 0 : i32
        %dma_wait3A_118 = tpu.memref_slice %arg16[%dma_wait3A_116, %dma_wait3A_117] : memref<10016x128xbf16, #tpu.memory_space<vmem_shared>> -> memref<10016x128xbf16, #tpu.memory_space<vmem_shared>>
        tpu.wait_indirect_dma semaphore(%arg19 : memref<!tpu.dma_semaphore, #tpu.memory_space<semaphore_mem>>) src(%arg13 : memref<128x128xbf16, #tpu.memory_space<vmem>>) dst(%dma_wait3A_118 : memref<10016x128xbf16, #tpu.memory_space<vmem_shared>>)
      } else {
      }
      %add3A_60 = arith.constant 1 : i32
      %add3A_61 = arith.addi %add3A_51, %add3A_60 : i32
      %lt3A = arith.constant 80 : i32
      %lt3A_62 = arith.cmpi slt, %add3A_61, %lt3A : i32
      %convert_element_type3A_63 = arith.extui %lt3A_62 : i1 to i32
      %cond3A_64 = arith.constant 0 : i32
      %cond3A_65 = arith.cmpi ne, %convert_element_type3A_63, %cond3A_64 : i32
      scf.if %cond3A_65 {
        %add3A_112 = arith.constant 1 : i32
        %add3A_113 = arith.addi %add3A_51, %add3A_112 : i32
        %dma_start3A_114 = arith.constant 0 : i32
        %dma_start3A_115 = tpu.memref_slice %arg10[%add3A_113, %dma_start3A_114] : memref<80x128xi32, #tpu.memory_space<vmem>> -> memref<1x128xi32, #tpu.memory_space<vmem>>
        %dma_start3A_116 = tpu.memref_squeeze %dma_start3A_115 : memref<1x128xi32, #tpu.memory_space<vmem>> -> memref<128xi32, #tpu.memory_space<vmem>>
        %dma_start3A_117 = arith.constant 0 : i32
        %dma_start3A_118 = arith.constant 0 : i32
        %dma_start3A_119 = tpu.memref_slice %arg15[%dma_start3A_117, %dma_start3A_118] : memref<10000x128xbf16, #tpu.memory_space<vmem_shared>> -> memref<10000x128xbf16, #tpu.memory_space<vmem_shared>>
        tpu.enqueue_indirect_dma source(%dma_start3A_119 : memref<10000x128xbf16, #tpu.memory_space<vmem_shared>>) target(%arg13 : memref<128x128xbf16, #tpu.memory_space<vmem>>) offsets(%dma_start3A_116 : memref<128xi32, #tpu.memory_space<vmem>>) semaphore(%arg18 : memref<!tpu.dma_semaphore, #tpu.memory_space<semaphore_mem>>)
      } else {
      }
      %dma_start3A_66 = arith.constant 0 : i32
      %dma_start3A_67 = tpu.memref_slice %arg11[%add3A_51, %dma_start3A_66] : memref<80x128xi32, #tpu.memory_space<vmem>> -> memref<1x128xi32, #tpu.memory_space<vmem>>
      %dma_start3A_68 = tpu.memref_squeeze %dma_start3A_67 : memref<1x128xi32, #tpu.memory_space<vmem>> -> memref<128xi32, #tpu.memory_space<vmem>>
      %dma_start3A_69 = arith.constant 0 : i32
      %dma_start3A_70 = arith.constant 0 : i32
      %dma_start3A_71 = tpu.memref_slice %arg16[%dma_start3A_69, %dma_start3A_70] : memref<10016x128xbf16, #tpu.memory_space<vmem_shared>> -> memref<10016x128xbf16, #tpu.memory_space<vmem_shared>>
      tpu.enqueue_indirect_dma source(%arg12 : memref<128x128xbf16, #tpu.memory_space<vmem>>) target(%dma_start3A_71 : memref<10016x128xbf16, #tpu.memory_space<vmem_shared>>) offsets(%dma_start3A_68 : memref<128xi32, #tpu.memory_space<vmem>>) semaphore(%arg19 : memref<!tpu.dma_semaphore, #tpu.memory_space<semaphore_mem>>) {add = true}
      %dma_start3A_72 = arith.constant 0 : i32
      %dma_start3A_73 = tpu.memref_slice %arg11[%add3A_51, %dma_start3A_72] : memref<80x128xi32, #tpu.memory_space<vmem>> -> memref<1x128xi32, #tpu.memory_space<vmem>>
      %dma_start3A_74 = tpu.memref_squeeze %dma_start3A_73 : memref<1x128xi32, #tpu.memory_space<vmem>> -> memref<128xi32, #tpu.memory_space<vmem>>
      %dma_start3A_75 = arith.constant 0 : i32
      %dma_start3A_76 = arith.constant 0 : i32
      %dma_start3A_77 = tpu.memref_slice %arg17[%dma_start3A_75, %dma_start3A_76] : memref<10016x32xbf16, #tpu.memory_space<vmem_shared>> -> memref<10016x32xbf16, #tpu.memory_space<vmem_shared>>
      tpu.enqueue_indirect_dma source(%arg14 : memref<128x32xbf16, #tpu.memory_space<vmem>>) target(%dma_start3A_77 : memref<10016x32xbf16, #tpu.memory_space<vmem_shared>>) offsets(%dma_start3A_74 : memref<128xi32, #tpu.memory_space<vmem>>) semaphore(%arg20 : memref<!tpu.dma_semaphore, #tpu.memory_space<semaphore_mem>>) {add = true}
      %mul3A_78 = arith.constant 2 : i32
      %mul3A_79 = arith.muli %scan3A_47, %mul3A_78 : i32
      %add3A_80 = arith.constant 1 : i32
      %add3A_81 = arith.addi %mul3A_79, %add3A_80 : i32
      %dma_wait3A_82 = arith.constant 0 : i32
      %dma_wait3A_83 = tpu.memref_slice %arg10[%add3A_81, %dma_wait3A_82] : memref<80x128xi32, #tpu.memory_space<vmem>> -> memref<1x128xi32, #tpu.memory_space<vmem>>
      %dma_wait3A_84 = tpu.memref_squeeze %dma_wait3A_83 : memref<1x128xi32, #tpu.memory_space<vmem>> -> memref<128xi32, #tpu.memory_space<vmem>>
      %dma_wait3A_85 = arith.constant 0 : i32
      %dma_wait3A_86 = arith.constant 0 : i32
      %dma_wait3A_87 = tpu.memref_slice %arg15[%dma_wait3A_85, %dma_wait3A_86] : memref<10000x128xbf16, #tpu.memory_space<vmem_shared>> -> memref<10000x128xbf16, #tpu.memory_space<vmem_shared>>
      tpu.wait_indirect_dma semaphore(%arg18 : memref<!tpu.dma_semaphore, #tpu.memory_space<semaphore_mem>>) src(%dma_wait3A_87 : memref<10000x128xbf16, #tpu.memory_space<vmem_shared>>) dst(%arg13 : memref<128x128xbf16, #tpu.memory_space<vmem>>)
      %ge3A_88 = arith.constant 1 : i32
      %ge3A_89 = arith.cmpi sge, %add3A_81, %ge3A_88 : i32
      %convert_element_type3A_90 = arith.extui %ge3A_89 : i1 to i32
      %cond3A_91 = arith.constant 0 : i32
      %cond3A_92 = arith.cmpi ne, %convert_element_type3A_90, %cond3A_91 : i32
      scf.if %cond3A_92 {
        %sub3A = arith.constant 1 : i32
        %sub3A_112 = arith.subi %add3A_81, %sub3A : i32
        %dma_wait3A_113 = arith.constant 0 : i32
        %dma_wait3A_114 = tpu.memref_slice %arg11[%sub3A_112, %dma_wait3A_113] : memref<80x128xi32, #tpu.memory_space<vmem>> -> memref<1x128xi32, #tpu.memory_space<vmem>>
        %dma_wait3A_115 = tpu.memref_squeeze %dma_wait3A_114 : memref<1x128xi32, #tpu.memory_space<vmem>> -> memref<128xi32, #tpu.memory_space<vmem>>
        %dma_wait3A_116 = arith.constant 0 : i32
        %dma_wait3A_117 = arith.constant 0 : i32
        %dma_wait3A_118 = tpu.memref_slice %arg16[%dma_wait3A_116, %dma_wait3A_117] : memref<10016x128xbf16, #tpu.memory_space<vmem_shared>> -> memref<10016x128xbf16, #tpu.memory_space<vmem_shared>>
        tpu.wait_indirect_dma semaphore(%arg19 : memref<!tpu.dma_semaphore, #tpu.memory_space<semaphore_mem>>) src(%arg12 : memref<128x128xbf16, #tpu.memory_space<vmem>>) dst(%dma_wait3A_118 : memref<10016x128xbf16, #tpu.memory_space<vmem_shared>>)
      } else {
      }
      %add3A_93 = arith.constant 1 : i32
      %add3A_94 = arith.addi %add3A_81, %add3A_93 : i32
      %lt3A_95 = arith.constant 80 : i32
      %lt3A_96 = arith.cmpi slt, %add3A_94, %lt3A_95 : i32
      %convert_element_type3A_97 = arith.extui %lt3A_96 : i1 to i32
      %cond3A_98 = arith.constant 0 : i32
      %cond3A_99 = arith.cmpi ne, %convert_element_type3A_97, %cond3A_98 : i32
      scf.if %cond3A_99 {
        %add3A_112 = arith.constant 1 : i32
        %add3A_113 = arith.addi %add3A_81, %add3A_112 : i32
        %dma_start3A_114 = arith.constant 0 : i32
        %dma_start3A_115 = tpu.memref_slice %arg10[%add3A_113, %dma_start3A_114] : memref<80x128xi32, #tpu.memory_space<vmem>> -> memref<1x128xi32, #tpu.memory_space<vmem>>
        %dma_start3A_116 = tpu.memref_squeeze %dma_start3A_115 : memref<1x128xi32, #tpu.memory_space<vmem>> -> memref<128xi32, #tpu.memory_space<vmem>>
        %dma_start3A_117 = arith.constant 0 : i32
        %dma_start3A_118 = arith.constant 0 : i32
        %dma_start3A_119 = tpu.memref_slice %arg15[%dma_start3A_117, %dma_start3A_118] : memref<10000x128xbf16, #tpu.memory_space<vmem_shared>> -> memref<10000x128xbf16, #tpu.memory_space<vmem_shared>>
        tpu.enqueue_indirect_dma source(%dma_start3A_119 : memref<10000x128xbf16, #tpu.memory_space<vmem_shared>>) target(%arg12 : memref<128x128xbf16, #tpu.memory_space<vmem>>) offsets(%dma_start3A_116 : memref<128xi32, #tpu.memory_space<vmem>>) semaphore(%arg18 : memref<!tpu.dma_semaphore, #tpu.memory_space<semaphore_mem>>)
      } else {
      }
      %dma_start3A_100 = arith.constant 0 : i32
      %dma_start3A_101 = tpu.memref_slice %arg11[%add3A_81, %dma_start3A_100] : memref<80x128xi32, #tpu.memory_space<vmem>> -> memref<1x128xi32, #tpu.memory_space<vmem>>
      %dma_start3A_102 = tpu.memref_squeeze %dma_start3A_101 : memref<1x128xi32, #tpu.memory_space<vmem>> -> memref<128xi32, #tpu.memory_space<vmem>>
      %dma_start3A_103 = arith.constant 0 : i32
      %dma_start3A_104 = arith.constant 0 : i32
      %dma_start3A_105 = tpu.memref_slice %arg16[%dma_start3A_103, %dma_start3A_104] : memref<10016x128xbf16, #tpu.memory_space<vmem_shared>> -> memref<10016x128xbf16, #tpu.memory_space<vmem_shared>>
      tpu.enqueue_indirect_dma source(%arg13 : memref<128x128xbf16, #tpu.memory_space<vmem>>) target(%dma_start3A_105 : memref<10016x128xbf16, #tpu.memory_space<vmem_shared>>) offsets(%dma_start3A_102 : memref<128xi32, #tpu.memory_space<vmem>>) semaphore(%arg19 : memref<!tpu.dma_semaphore, #tpu.memory_space<semaphore_mem>>) {add = true}
      %dma_start3A_106 = arith.constant 0 : i32
      %dma_start3A_107 = tpu.memref_slice %arg11[%add3A_81, %dma_start3A_106] : memref<80x128xi32, #tpu.memory_space<vmem>> -> memref<1x128xi32, #tpu.memory_space<vmem>>
      %dma_start3A_108 = tpu.memref_squeeze %dma_start3A_107 : memref<1x128xi32, #tpu.memory_space<vmem>> -> memref<128xi32, #tpu.memory_space<vmem>>
      %dma_start3A_109 = arith.constant 0 : i32
      %dma_start3A_110 = arith.constant 0 : i32
      %dma_start3A_111 = tpu.memref_slice %arg17[%dma_start3A_109, %dma_start3A_110] : memref<10016x32xbf16, #tpu.memory_space<vmem_shared>> -> memref<10016x32xbf16, #tpu.memory_space<vmem_shared>>
      tpu.enqueue_indirect_dma source(%arg14 : memref<128x32xbf16, #tpu.memory_space<vmem>>) target(%dma_start3A_111 : memref<10016x32xbf16, #tpu.memory_space<vmem_shared>>) offsets(%dma_start3A_108 : memref<128xi32, #tpu.memory_space<vmem>>) semaphore(%arg20 : memref<!tpu.dma_semaphore, #tpu.memory_space<semaphore_mem>>) {add = true}
    }
    %scan3A_19 = arith.constant 40 : i32
    %dma_wait3A = arith.constant 79 : i32
    %dma_wait3A_20 = arith.constant 0 : i32
    %dma_wait3A_21 = tpu.memref_slice %arg11[%dma_wait3A, %dma_wait3A_20] : memref<80x128xi32, #tpu.memory_space<vmem>> -> memref<1x128xi32, #tpu.memory_space<vmem>>
    %dma_wait3A_22 = tpu.memref_squeeze %dma_wait3A_21 : memref<1x128xi32, #tpu.memory_space<vmem>> -> memref<128xi32, #tpu.memory_space<vmem>>
    %dma_wait3A_23 = arith.constant 0 : i32
    %dma_wait3A_24 = arith.constant 0 : i32
    %dma_wait3A_25 = tpu.memref_slice %arg16[%dma_wait3A_23, %dma_wait3A_24] : memref<10016x128xbf16, #tpu.memory_space<vmem_shared>> -> memref<10016x128xbf16, #tpu.memory_space<vmem_shared>>
    tpu.wait_indirect_dma semaphore(%arg19 : memref<!tpu.dma_semaphore, #tpu.memory_space<semaphore_mem>>) src(%arg13 : memref<128x128xbf16, #tpu.memory_space<vmem>>) dst(%dma_wait3A_25 : memref<10016x128xbf16, #tpu.memory_space<vmem_shared>>)
    %scan3A_26 = arith.constant 0 : i32
    %scan3A_27 = arith.constant 0 : i32
    %scan3A_28 = arith.constant 80 : i32
    %scan3A_29 = arith.addi %scan3A_27, %scan3A_28 : i32
    %scan3A_30 = arith.constant 1 : i32
    scf.for %scan3A_47 = %scan3A_27 to %scan3A_29 step %scan3A_30  : i32 {
      %dma_wait3A_48 = arith.constant 0 : i32
      %dma_wait3A_49 = tpu.memref_slice %arg11[%scan3A_47, %dma_wait3A_48] : memref<80x128xi32, #tpu.memory_space<vmem>> -> memref<1x128xi32, #tpu.memory_space<vmem>>
      %dma_wait3A_50 = tpu.memref_squeeze %dma_wait3A_49 : memref<1x128xi32, #tpu.memory_space<vmem>> -> memref<128xi32, #tpu.memory_space<vmem>>
      %dma_wait3A_51 = arith.constant 0 : i32
      %dma_wait3A_52 = arith.constant 0 : i32
      %dma_wait3A_53 = tpu.memref_slice %arg17[%dma_wait3A_51, %dma_wait3A_52] : memref<10016x32xbf16, #tpu.memory_space<vmem_shared>> -> memref<10016x32xbf16, #tpu.memory_space<vmem_shared>>
      tpu.wait_indirect_dma semaphore(%arg20 : memref<!tpu.dma_semaphore, #tpu.memory_space<semaphore_mem>>) src(%arg14 : memref<128x32xbf16, #tpu.memory_space<vmem>>) dst(%dma_wait3A_53 : memref<10016x32xbf16, #tpu.memory_space<vmem_shared>>)
    }
    %scan3A_31 = arith.constant 80 : i32
    %barrier3A_32 = arith.constant 0 : index
    tpu.barrier barrier_id(%barrier3A_32)
    %mul3A_33 = arith.constant 626 : i32
    %mul3A_34 = arith.muli %arg1, %mul3A_33 : i32
    %mul3A_35 = arith.constant 10016 : i32
    %mul3A_36 = arith.muli %arg0, %mul3A_35 : i32
    %mul3A_37 = arith.constant 626 : i32
    %mul3A_38 = arith.muli %arg1, %mul3A_37 : i32
    %add3A_39 = arith.addi %mul3A_36, %mul3A_38 : i32
    "tpu.region"() ({
      %run_scoped3A = tpu.sem_alloc : memref<!tpu.dma_semaphore, #tpu.memory_space<semaphore_mem>>
      %dma_start3A_47 = arith.constant 0 : i32
      %dma_start3A_48 = tpu.memref_slice %arg8[%add3A_39, %dma_start3A_47] : memref<20032x128xbf16, #tpu.memory_space<hbm>> -> memref<626x128xbf16, #tpu.memory_space<hbm>>
      %dma_start3A_49 = arith.constant 0 : i32
      %dma_start3A_50 = tpu.memref_slice %arg16[%mul3A_34, %dma_start3A_49] : memref<10016x128xbf16, #tpu.memory_space<vmem_shared>> -> memref<626x128xbf16, #tpu.memory_space<vmem_shared>>
      tpu.enqueue_dma source(%dma_start3A_50 : memref<626x128xbf16, #tpu.memory_space<vmem_shared>>) target(%dma_start3A_48 : memref<626x128xbf16, #tpu.memory_space<hbm>>) target_semaphore(%run_scoped3A : memref<!tpu.dma_semaphore, #tpu.memory_space<semaphore_mem>>)
      %dma_wait3A_51 = arith.constant 0 : i32
      %dma_wait3A_52 = tpu.memref_slice %arg8[%add3A_39, %dma_wait3A_51] : memref<20032x128xbf16, #tpu.memory_space<hbm>> -> memref<626x128xbf16, #tpu.memory_space<hbm>>
      %dma_wait3A_53 = arith.constant 0 : i32
      %dma_wait3A_54 = tpu.memref_slice %arg16[%mul3A_34, %dma_wait3A_53] : memref<10016x128xbf16, #tpu.memory_space<vmem_shared>> -> memref<626x128xbf16, #tpu.memory_space<vmem_shared>>
      tpu.wait_dma2 semaphore(%run_scoped3A : memref<!tpu.dma_semaphore, #tpu.memory_space<semaphore_mem>>) src(%dma_wait3A_54 : memref<626x128xbf16, #tpu.memory_space<vmem_shared>>) dst(%dma_wait3A_52 : memref<626x128xbf16, #tpu.memory_space<hbm>>)
      tpu.yield
    }) : () -> ()
    %mul3A_40 = arith.constant 626 : i32
    %mul3A_41 = arith.muli %arg1, %mul3A_40 : i32
    %mul3A_42 = arith.constant 10016 : i32
    %mul3A_43 = arith.muli %arg0, %mul3A_42 : i32
    %mul3A_44 = arith.constant 626 : i32
    %mul3A_45 = arith.muli %arg1, %mul3A_44 : i32
    %add3A_46 = arith.addi %mul3A_43, %mul3A_45 : i32
    "tpu.region"() ({
      %run_scoped3A = tpu.sem_alloc : memref<!tpu.dma_semaphore, #tpu.memory_space<semaphore_mem>>
      %dma_start3A_47 = arith.constant 0 : i32
      %dma_start3A_48 = tpu.memref_slice %arg9[%add3A_46, %dma_start3A_47] : memref<20032x32xbf16, #tpu.memory_space<hbm>> -> memref<626x32xbf16, #tpu.memory_space<hbm>>
      %dma_start3A_49 = arith.constant 0 : i32
      %dma_start3A_50 = tpu.memref_slice %arg17[%mul3A_41, %dma_start3A_49] : memref<10016x32xbf16, #tpu.memory_space<vmem_shared>> -> memref<626x32xbf16, #tpu.memory_space<vmem_shared>>
      tpu.enqueue_dma source(%dma_start3A_50 : memref<626x32xbf16, #tpu.memory_space<vmem_shared>>) target(%dma_start3A_48 : memref<626x32xbf16, #tpu.memory_space<hbm>>) target_semaphore(%run_scoped3A : memref<!tpu.dma_semaphore, #tpu.memory_space<semaphore_mem>>)
      %dma_wait3A_51 = arith.constant 0 : i32
      %dma_wait3A_52 = tpu.memref_slice %arg9[%add3A_46, %dma_wait3A_51] : memref<20032x32xbf16, #tpu.memory_space<hbm>> -> memref<626x32xbf16, #tpu.memory_space<hbm>>
      %dma_wait3A_53 = arith.constant 0 : i32
      %dma_wait3A_54 = tpu.memref_slice %arg17[%mul3A_41, %dma_wait3A_53] : memref<10016x32xbf16, #tpu.memory_space<vmem_shared>> -> memref<626x32xbf16, #tpu.memory_space<vmem_shared>>
      tpu.wait_dma2 semaphore(%run_scoped3A : memref<!tpu.dma_semaphore, #tpu.memory_space<semaphore_mem>>) src(%dma_wait3A_54 : memref<626x32xbf16, #tpu.memory_space<vmem_shared>>) dst(%dma_wait3A_52 : memref<626x32xbf16, #tpu.memory_space<hbm>>)
      tpu.yield
    }) : () -> ()
    return
  }
}

#map = affine_map<(d0, d1) -> (0, 0)>
#map1 = affine_map<(d0, d1) -> (0, 0, 0)>
module attributes {stable_mosaic.version = 14 : i64} {
  func.func @_sc_body_nodeg(%arg0: i32, %arg1: i32, %arg2: memref<10000x128xbf16, #tpu.memory_space<hbm>>, %arg3: memref<32x80x128xi32, #tpu.memory_space<hbm>>, %arg4: memref<32x80x128xi32, #tpu.memory_space<hbm>>, %arg5: memref<626x128xbf16, #tpu.memory_space<hbm>>, %arg6: memref<20032x128xbf16, #tpu.memory_space<hbm>>, %arg7: memref<80x128xi32, #tpu.memory_space<vmem>>, %arg8: memref<80x128xi32, #tpu.memory_space<vmem>>, %arg9: memref<128x128xbf16, #tpu.memory_space<vmem>>, %arg10: memref<128x128xbf16, #tpu.memory_space<vmem>>, %arg11: memref<10000x128xbf16, #tpu.memory_space<vmem_shared>>, %arg12: memref<10016x128xbf16, #tpu.memory_space<vmem_shared>>, %arg13: memref<!tpu.dma_semaphore, #tpu.memory_space<semaphore_mem>>, %arg14: memref<!tpu.dma_semaphore, #tpu.memory_space<semaphore_mem>>) attributes {dimension_semantics = [#tpu.dimension_semantics<core_parallel>, #tpu.dimension_semantics<subcore_parallel>], iteration_bounds = array<i64: 2, 16>, scalar_prefetch = 0 : i64, scratch_operands = 8 : i64, tpu.core_type = #tpu.core_type<sc_vector_subcore>, window_params = [{transform_indices = #map}, {transform_indices = #map1}, {transform_indices = #map1}, {transform_indices = #map}, {transform_indices = #map}]} {
    %mul3A = arith.constant 16 : i32
    %mul3A_0 = arith.muli %arg0, %mul3A : i32
    %add3A = arith.addi %mul3A_0, %arg1 : i32
    %mul3A_1 = arith.constant 625 : i32
    %mul3A_2 = arith.muli %arg1, %mul3A_1 : i32
    %mul3A_3 = arith.constant 625 : i32
    %mul3A_4 = arith.muli %arg1, %mul3A_3 : i32
    "tpu.region"() ({
      %run_scoped3A = tpu.sem_alloc : memref<!tpu.dma_semaphore, #tpu.memory_space<semaphore_mem>>
      %dma_start3A_32 = arith.constant 0 : i32
      %dma_start3A_33 = tpu.memref_slice %arg11[%mul3A_4, %dma_start3A_32] : memref<10000x128xbf16, #tpu.memory_space<vmem_shared>> -> memref<625x128xbf16, #tpu.memory_space<vmem_shared>>
      %dma_start3A_34 = arith.constant 0 : i32
      %dma_start3A_35 = tpu.memref_slice %arg2[%mul3A_2, %dma_start3A_34] : memref<10000x128xbf16, #tpu.memory_space<hbm>> -> memref<625x128xbf16, #tpu.memory_space<hbm>>
      tpu.enqueue_dma source(%dma_start3A_35 : memref<625x128xbf16, #tpu.memory_space<hbm>>) target(%dma_start3A_33 : memref<625x128xbf16, #tpu.memory_space<vmem_shared>>) target_semaphore(%run_scoped3A : memref<!tpu.dma_semaphore, #tpu.memory_space<semaphore_mem>>)
      %dma_wait3A_36 = arith.constant 0 : i32
      %dma_wait3A_37 = tpu.memref_slice %arg11[%mul3A_4, %dma_wait3A_36] : memref<10000x128xbf16, #tpu.memory_space<vmem_shared>> -> memref<625x128xbf16, #tpu.memory_space<vmem_shared>>
      %dma_wait3A_38 = arith.constant 0 : i32
      %dma_wait3A_39 = tpu.memref_slice %arg2[%mul3A_2, %dma_wait3A_38] : memref<10000x128xbf16, #tpu.memory_space<hbm>> -> memref<625x128xbf16, #tpu.memory_space<hbm>>
      tpu.wait_dma2 semaphore(%run_scoped3A : memref<!tpu.dma_semaphore, #tpu.memory_space<semaphore_mem>>) src(%dma_wait3A_39 : memref<625x128xbf16, #tpu.memory_space<hbm>>) dst(%dma_wait3A_37 : memref<625x128xbf16, #tpu.memory_space<vmem_shared>>)
      tpu.yield
    }) : () -> ()
    %mul3A_5 = arith.constant 626 : i32
    %mul3A_6 = arith.muli %arg1, %mul3A_5 : i32
    "tpu.region"() ({
      %run_scoped3A = tpu.sem_alloc : memref<!tpu.dma_semaphore, #tpu.memory_space<semaphore_mem>>
      %dma_start3A_32 = arith.constant 0 : i32
      %dma_start3A_33 = tpu.memref_slice %arg12[%mul3A_6, %dma_start3A_32] : memref<10016x128xbf16, #tpu.memory_space<vmem_shared>> -> memref<626x128xbf16, #tpu.memory_space<vmem_shared>>
      tpu.enqueue_dma source(%arg5 : memref<626x128xbf16, #tpu.memory_space<hbm>>) target(%dma_start3A_33 : memref<626x128xbf16, #tpu.memory_space<vmem_shared>>) target_semaphore(%run_scoped3A : memref<!tpu.dma_semaphore, #tpu.memory_space<semaphore_mem>>)
      %dma_wait3A_34 = arith.constant 0 : i32
      %dma_wait3A_35 = tpu.memref_slice %arg12[%mul3A_6, %dma_wait3A_34] : memref<10016x128xbf16, #tpu.memory_space<vmem_shared>> -> memref<626x128xbf16, #tpu.memory_space<vmem_shared>>
      tpu.wait_dma2 semaphore(%run_scoped3A : memref<!tpu.dma_semaphore, #tpu.memory_space<semaphore_mem>>) src(%arg5 : memref<626x128xbf16, #tpu.memory_space<hbm>>) dst(%dma_wait3A_35 : memref<626x128xbf16, #tpu.memory_space<vmem_shared>>)
      tpu.yield
    }) : () -> ()
    %barrier3A = arith.constant 0 : index
    tpu.barrier barrier_id(%barrier3A)
    "tpu.region"() ({
      %run_scoped3A = tpu.sem_alloc : memref<!tpu.dma_semaphore, #tpu.memory_space<semaphore_mem>>
      %dma_start3A_32 = arith.constant 0 : i32
      %dma_start3A_33 = arith.constant 0 : i32
      %dma_start3A_34 = tpu.memref_slice %arg3[%add3A, %dma_start3A_32, %dma_start3A_33] : memref<32x80x128xi32, #tpu.memory_space<hbm>> -> memref<1x80x128xi32, #tpu.memory_space<hbm>>
      %dma_start3A_35 = tpu.memref_squeeze %dma_start3A_34 : memref<1x80x128xi32, #tpu.memory_space<hbm>> -> memref<80x128xi32, #tpu.memory_space<hbm>>
      %dma_start3A_36 = arith.constant 0 : i32
      %dma_start3A_37 = arith.constant 0 : i32
      %dma_start3A_38 = tpu.memref_slice %arg3[%add3A, %dma_start3A_36, %dma_start3A_37] : memref<32x80x128xi32, #tpu.memory_space<hbm>> -> memref<1x80x128xi32, #tpu.memory_space<hbm>>
      %dma_start3A_39 = tpu.memref_squeeze %dma_start3A_38 : memref<1x80x128xi32, #tpu.memory_space<hbm>> -> memref<80x128xi32, #tpu.memory_space<hbm>>
      tpu.enqueue_dma source(%dma_start3A_39 : memref<80x128xi32, #tpu.memory_space<hbm>>) target(%arg7 : memref<80x128xi32, #tpu.memory_space<vmem>>) target_semaphore(%run_scoped3A : memref<!tpu.dma_semaphore, #tpu.memory_space<semaphore_mem>>)
      %dma_wait3A_40 = arith.constant 0 : i32
      %dma_wait3A_41 = arith.constant 0 : i32
      %dma_wait3A_42 = tpu.memref_slice %arg3[%add3A, %dma_wait3A_40, %dma_wait3A_41] : memref<32x80x128xi32, #tpu.memory_space<hbm>> -> memref<1x80x128xi32, #tpu.memory_space<hbm>>
      %dma_wait3A_43 = tpu.memref_squeeze %dma_wait3A_42 : memref<1x80x128xi32, #tpu.memory_space<hbm>> -> memref<80x128xi32, #tpu.memory_space<hbm>>
      %dma_wait3A_44 = arith.constant 0 : i32
      %dma_wait3A_45 = arith.constant 0 : i32
      %dma_wait3A_46 = tpu.memref_slice %arg3[%add3A, %dma_wait3A_44, %dma_wait3A_45] : memref<32x80x128xi32, #tpu.memory_space<hbm>> -> memref<1x80x128xi32, #tpu.memory_space<hbm>>
      %dma_wait3A_47 = tpu.memref_squeeze %dma_wait3A_46 : memref<1x80x128xi32, #tpu.memory_space<hbm>> -> memref<80x128xi32, #tpu.memory_space<hbm>>
      tpu.wait_dma2 semaphore(%run_scoped3A : memref<!tpu.dma_semaphore, #tpu.memory_space<semaphore_mem>>) src(%dma_wait3A_47 : memref<80x128xi32, #tpu.memory_space<hbm>>) dst(%arg7 : memref<80x128xi32, #tpu.memory_space<vmem>>)
      tpu.yield
    }) : () -> ()
    "tpu.region"() ({
      %run_scoped3A = tpu.sem_alloc : memref<!tpu.dma_semaphore, #tpu.memory_space<semaphore_mem>>
      %dma_start3A_32 = arith.constant 0 : i32
      %dma_start3A_33 = arith.constant 0 : i32
      %dma_start3A_34 = tpu.memref_slice %arg4[%add3A, %dma_start3A_32, %dma_start3A_33] : memref<32x80x128xi32, #tpu.memory_space<hbm>> -> memref<1x80x128xi32, #tpu.memory_space<hbm>>
      %dma_start3A_35 = tpu.memref_squeeze %dma_start3A_34 : memref<1x80x128xi32, #tpu.memory_space<hbm>> -> memref<80x128xi32, #tpu.memory_space<hbm>>
      %dma_start3A_36 = arith.constant 0 : i32
      %dma_start3A_37 = arith.constant 0 : i32
      %dma_start3A_38 = tpu.memref_slice %arg4[%add3A, %dma_start3A_36, %dma_start3A_37] : memref<32x80x128xi32, #tpu.memory_space<hbm>> -> memref<1x80x128xi32, #tpu.memory_space<hbm>>
      %dma_start3A_39 = tpu.memref_squeeze %dma_start3A_38 : memref<1x80x128xi32, #tpu.memory_space<hbm>> -> memref<80x128xi32, #tpu.memory_space<hbm>>
      tpu.enqueue_dma source(%dma_start3A_39 : memref<80x128xi32, #tpu.memory_space<hbm>>) target(%arg8 : memref<80x128xi32, #tpu.memory_space<vmem>>) target_semaphore(%run_scoped3A : memref<!tpu.dma_semaphore, #tpu.memory_space<semaphore_mem>>)
      %dma_wait3A_40 = arith.constant 0 : i32
      %dma_wait3A_41 = arith.constant 0 : i32
      %dma_wait3A_42 = tpu.memref_slice %arg4[%add3A, %dma_wait3A_40, %dma_wait3A_41] : memref<32x80x128xi32, #tpu.memory_space<hbm>> -> memref<1x80x128xi32, #tpu.memory_space<hbm>>
      %dma_wait3A_43 = tpu.memref_squeeze %dma_wait3A_42 : memref<1x80x128xi32, #tpu.memory_space<hbm>> -> memref<80x128xi32, #tpu.memory_space<hbm>>
      %dma_wait3A_44 = arith.constant 0 : i32
      %dma_wait3A_45 = arith.constant 0 : i32
      %dma_wait3A_46 = tpu.memref_slice %arg4[%add3A, %dma_wait3A_44, %dma_wait3A_45] : memref<32x80x128xi32, #tpu.memory_space<hbm>> -> memref<1x80x128xi32, #tpu.memory_space<hbm>>
      %dma_wait3A_47 = tpu.memref_squeeze %dma_wait3A_46 : memref<1x80x128xi32, #tpu.memory_space<hbm>> -> memref<80x128xi32, #tpu.memory_space<hbm>>
      tpu.wait_dma2 semaphore(%run_scoped3A : memref<!tpu.dma_semaphore, #tpu.memory_space<semaphore_mem>>) src(%dma_wait3A_47 : memref<80x128xi32, #tpu.memory_space<hbm>>) dst(%arg8 : memref<80x128xi32, #tpu.memory_space<vmem>>)
      tpu.yield
    }) : () -> ()
    %dma_start3A = arith.constant 0 : i32
    %dma_start3A_7 = arith.constant 0 : i32
    %dma_start3A_8 = tpu.memref_slice %arg7[%dma_start3A, %dma_start3A_7] : memref<80x128xi32, #tpu.memory_space<vmem>> -> memref<1x128xi32, #tpu.memory_space<vmem>>
    %dma_start3A_9 = tpu.memref_squeeze %dma_start3A_8 : memref<1x128xi32, #tpu.memory_space<vmem>> -> memref<128xi32, #tpu.memory_space<vmem>>
    %dma_start3A_10 = arith.constant 0 : i32
    %dma_start3A_11 = arith.constant 0 : i32
    %dma_start3A_12 = tpu.memref_slice %arg11[%dma_start3A_10, %dma_start3A_11] : memref<10000x128xbf16, #tpu.memory_space<vmem_shared>> -> memref<10000x128xbf16, #tpu.memory_space<vmem_shared>>
    tpu.enqueue_indirect_dma source(%dma_start3A_12 : memref<10000x128xbf16, #tpu.memory_space<vmem_shared>>) target(%arg9 : memref<128x128xbf16, #tpu.memory_space<vmem>>) offsets(%dma_start3A_9 : memref<128xi32, #tpu.memory_space<vmem>>) semaphore(%arg13 : memref<!tpu.dma_semaphore, #tpu.memory_space<semaphore_mem>>)
    %scan3A = arith.constant 0 : i32
    %scan3A_13 = arith.constant 0 : i32
    %scan3A_14 = arith.constant 40 : i32
    %scan3A_15 = arith.addi %scan3A_13, %scan3A_14 : i32
    %scan3A_16 = arith.constant 1 : i32
    scf.for %scan3A_32 = %scan3A_13 to %scan3A_15 step %scan3A_16  : i32 {
      %mul3A_33 = arith.constant 2 : i32
      %mul3A_34 = arith.muli %scan3A_32, %mul3A_33 : i32
      %add3A_35 = arith.constant 0 : i32
      %add3A_36 = arith.addi %mul3A_34, %add3A_35 : i32
      %dma_wait3A_37 = arith.constant 0 : i32
      %dma_wait3A_38 = tpu.memref_slice %arg7[%add3A_36, %dma_wait3A_37] : memref<80x128xi32, #tpu.memory_space<vmem>> -> memref<1x128xi32, #tpu.memory_space<vmem>>
      %dma_wait3A_39 = tpu.memref_squeeze %dma_wait3A_38 : memref<1x128xi32, #tpu.memory_space<vmem>> -> memref<128xi32, #tpu.memory_space<vmem>>
      %dma_wait3A_40 = arith.constant 0 : i32
      %dma_wait3A_41 = arith.constant 0 : i32
      %dma_wait3A_42 = tpu.memref_slice %arg11[%dma_wait3A_40, %dma_wait3A_41] : memref<10000x128xbf16, #tpu.memory_space<vmem_shared>> -> memref<10000x128xbf16, #tpu.memory_space<vmem_shared>>
      tpu.wait_indirect_dma semaphore(%arg13 : memref<!tpu.dma_semaphore, #tpu.memory_space<semaphore_mem>>) src(%dma_wait3A_42 : memref<10000x128xbf16, #tpu.memory_space<vmem_shared>>) dst(%arg9 : memref<128x128xbf16, #tpu.memory_space<vmem>>)
      %ge3A = arith.constant 1 : i32
      %ge3A_43 = arith.cmpi sge, %add3A_36, %ge3A : i32
      %convert_element_type3A = arith.extui %ge3A_43 : i1 to i32
      %cond3A = arith.constant 0 : i32
      %cond3A_44 = arith.cmpi ne, %convert_element_type3A, %cond3A : i32
      scf.if %cond3A_44 {
        %sub3A = arith.constant 1 : i32
        %sub3A_85 = arith.subi %add3A_36, %sub3A : i32
        %dma_wait3A_86 = arith.constant 0 : i32
        %dma_wait3A_87 = tpu.memref_slice %arg8[%sub3A_85, %dma_wait3A_86] : memref<80x128xi32, #tpu.memory_space<vmem>> -> memref<1x128xi32, #tpu.memory_space<vmem>>
        %dma_wait3A_88 = tpu.memref_squeeze %dma_wait3A_87 : memref<1x128xi32, #tpu.memory_space<vmem>> -> memref<128xi32, #tpu.memory_space<vmem>>
        %dma_wait3A_89 = arith.constant 0 : i32
        %dma_wait3A_90 = arith.constant 0 : i32
        %dma_wait3A_91 = tpu.memref_slice %arg12[%dma_wait3A_89, %dma_wait3A_90] : memref<10016x128xbf16, #tpu.memory_space<vmem_shared>> -> memref<10016x128xbf16, #tpu.memory_space<vmem_shared>>
        tpu.wait_indirect_dma semaphore(%arg14 : memref<!tpu.dma_semaphore, #tpu.memory_space<semaphore_mem>>) src(%arg10 : memref<128x128xbf16, #tpu.memory_space<vmem>>) dst(%dma_wait3A_91 : memref<10016x128xbf16, #tpu.memory_space<vmem_shared>>)
      } else {
      }
      %add3A_45 = arith.constant 1 : i32
      %add3A_46 = arith.addi %add3A_36, %add3A_45 : i32
      %lt3A = arith.constant 80 : i32
      %lt3A_47 = arith.cmpi slt, %add3A_46, %lt3A : i32
      %convert_element_type3A_48 = arith.extui %lt3A_47 : i1 to i32
      %cond3A_49 = arith.constant 0 : i32
      %cond3A_50 = arith.cmpi ne, %convert_element_type3A_48, %cond3A_49 : i32
      scf.if %cond3A_50 {
        %add3A_85 = arith.constant 1 : i32
        %add3A_86 = arith.addi %add3A_36, %add3A_85 : i32
        %dma_start3A_87 = arith.constant 0 : i32
        %dma_start3A_88 = tpu.memref_slice %arg7[%add3A_86, %dma_start3A_87] : memref<80x128xi32, #tpu.memory_space<vmem>> -> memref<1x128xi32, #tpu.memory_space<vmem>>
        %dma_start3A_89 = tpu.memref_squeeze %dma_start3A_88 : memref<1x128xi32, #tpu.memory_space<vmem>> -> memref<128xi32, #tpu.memory_space<vmem>>
        %dma_start3A_90 = arith.constant 0 : i32
        %dma_start3A_91 = arith.constant 0 : i32
        %dma_start3A_92 = tpu.memref_slice %arg11[%dma_start3A_90, %dma_start3A_91] : memref<10000x128xbf16, #tpu.memory_space<vmem_shared>> -> memref<10000x128xbf16, #tpu.memory_space<vmem_shared>>
        tpu.enqueue_indirect_dma source(%dma_start3A_92 : memref<10000x128xbf16, #tpu.memory_space<vmem_shared>>) target(%arg10 : memref<128x128xbf16, #tpu.memory_space<vmem>>) offsets(%dma_start3A_89 : memref<128xi32, #tpu.memory_space<vmem>>) semaphore(%arg13 : memref<!tpu.dma_semaphore, #tpu.memory_space<semaphore_mem>>)
      } else {
      }
      %dma_start3A_51 = arith.constant 0 : i32
      %dma_start3A_52 = tpu.memref_slice %arg8[%add3A_36, %dma_start3A_51] : memref<80x128xi32, #tpu.memory_space<vmem>> -> memref<1x128xi32, #tpu.memory_space<vmem>>
      %dma_start3A_53 = tpu.memref_squeeze %dma_start3A_52 : memref<1x128xi32, #tpu.memory_space<vmem>> -> memref<128xi32, #tpu.memory_space<vmem>>
      %dma_start3A_54 = arith.constant 0 : i32
      %dma_start3A_55 = arith.constant 0 : i32
      %dma_start3A_56 = tpu.memref_slice %arg12[%dma_start3A_54, %dma_start3A_55] : memref<10016x128xbf16, #tpu.memory_space<vmem_shared>> -> memref<10016x128xbf16, #tpu.memory_space<vmem_shared>>
      tpu.enqueue_indirect_dma source(%arg9 : memref<128x128xbf16, #tpu.memory_space<vmem>>) target(%dma_start3A_56 : memref<10016x128xbf16, #tpu.memory_space<vmem_shared>>) offsets(%dma_start3A_53 : memref<128xi32, #tpu.memory_space<vmem>>) semaphore(%arg14 : memref<!tpu.dma_semaphore, #tpu.memory_space<semaphore_mem>>) {add = true}
      %mul3A_57 = arith.constant 2 : i32
      %mul3A_58 = arith.muli %scan3A_32, %mul3A_57 : i32
      %add3A_59 = arith.constant 1 : i32
      %add3A_60 = arith.addi %mul3A_58, %add3A_59 : i32
      %dma_wait3A_61 = arith.constant 0 : i32
      %dma_wait3A_62 = tpu.memref_slice %arg7[%add3A_60, %dma_wait3A_61] : memref<80x128xi32, #tpu.memory_space<vmem>> -> memref<1x128xi32, #tpu.memory_space<vmem>>
      %dma_wait3A_63 = tpu.memref_squeeze %dma_wait3A_62 : memref<1x128xi32, #tpu.memory_space<vmem>> -> memref<128xi32, #tpu.memory_space<vmem>>
      %dma_wait3A_64 = arith.constant 0 : i32
      %dma_wait3A_65 = arith.constant 0 : i32
      %dma_wait3A_66 = tpu.memref_slice %arg11[%dma_wait3A_64, %dma_wait3A_65] : memref<10000x128xbf16, #tpu.memory_space<vmem_shared>> -> memref<10000x128xbf16, #tpu.memory_space<vmem_shared>>
      tpu.wait_indirect_dma semaphore(%arg13 : memref<!tpu.dma_semaphore, #tpu.memory_space<semaphore_mem>>) src(%dma_wait3A_66 : memref<10000x128xbf16, #tpu.memory_space<vmem_shared>>) dst(%arg10 : memref<128x128xbf16, #tpu.memory_space<vmem>>)
      %ge3A_67 = arith.constant 1 : i32
      %ge3A_68 = arith.cmpi sge, %add3A_60, %ge3A_67 : i32
      %convert_element_type3A_69 = arith.extui %ge3A_68 : i1 to i32
      %cond3A_70 = arith.constant 0 : i32
      %cond3A_71 = arith.cmpi ne, %convert_element_type3A_69, %cond3A_70 : i32
      scf.if %cond3A_71 {
        %sub3A = arith.constant 1 : i32
        %sub3A_85 = arith.subi %add3A_60, %sub3A : i32
        %dma_wait3A_86 = arith.constant 0 : i32
        %dma_wait3A_87 = tpu.memref_slice %arg8[%sub3A_85, %dma_wait3A_86] : memref<80x128xi32, #tpu.memory_space<vmem>> -> memref<1x128xi32, #tpu.memory_space<vmem>>
        %dma_wait3A_88 = tpu.memref_squeeze %dma_wait3A_87 : memref<1x128xi32, #tpu.memory_space<vmem>> -> memref<128xi32, #tpu.memory_space<vmem>>
        %dma_wait3A_89 = arith.constant 0 : i32
        %dma_wait3A_90 = arith.constant 0 : i32
        %dma_wait3A_91 = tpu.memref_slice %arg12[%dma_wait3A_89, %dma_wait3A_90] : memref<10016x128xbf16, #tpu.memory_space<vmem_shared>> -> memref<10016x128xbf16, #tpu.memory_space<vmem_shared>>
        tpu.wait_indirect_dma semaphore(%arg14 : memref<!tpu.dma_semaphore, #tpu.memory_space<semaphore_mem>>) src(%arg9 : memref<128x128xbf16, #tpu.memory_space<vmem>>) dst(%dma_wait3A_91 : memref<10016x128xbf16, #tpu.memory_space<vmem_shared>>)
      } else {
      }
      %add3A_72 = arith.constant 1 : i32
      %add3A_73 = arith.addi %add3A_60, %add3A_72 : i32
      %lt3A_74 = arith.constant 80 : i32
      %lt3A_75 = arith.cmpi slt, %add3A_73, %lt3A_74 : i32
      %convert_element_type3A_76 = arith.extui %lt3A_75 : i1 to i32
      %cond3A_77 = arith.constant 0 : i32
      %cond3A_78 = arith.cmpi ne, %convert_element_type3A_76, %cond3A_77 : i32
      scf.if %cond3A_78 {
        %add3A_85 = arith.constant 1 : i32
        %add3A_86 = arith.addi %add3A_60, %add3A_85 : i32
        %dma_start3A_87 = arith.constant 0 : i32
        %dma_start3A_88 = tpu.memref_slice %arg7[%add3A_86, %dma_start3A_87] : memref<80x128xi32, #tpu.memory_space<vmem>> -> memref<1x128xi32, #tpu.memory_space<vmem>>
        %dma_start3A_89 = tpu.memref_squeeze %dma_start3A_88 : memref<1x128xi32, #tpu.memory_space<vmem>> -> memref<128xi32, #tpu.memory_space<vmem>>
        %dma_start3A_90 = arith.constant 0 : i32
        %dma_start3A_91 = arith.constant 0 : i32
        %dma_start3A_92 = tpu.memref_slice %arg11[%dma_start3A_90, %dma_start3A_91] : memref<10000x128xbf16, #tpu.memory_space<vmem_shared>> -> memref<10000x128xbf16, #tpu.memory_space<vmem_shared>>
        tpu.enqueue_indirect_dma source(%dma_start3A_92 : memref<10000x128xbf16, #tpu.memory_space<vmem_shared>>) target(%arg9 : memref<128x128xbf16, #tpu.memory_space<vmem>>) offsets(%dma_start3A_89 : memref<128xi32, #tpu.memory_space<vmem>>) semaphore(%arg13 : memref<!tpu.dma_semaphore, #tpu.memory_space<semaphore_mem>>)
      } else {
      }
      %dma_start3A_79 = arith.constant 0 : i32
      %dma_start3A_80 = tpu.memref_slice %arg8[%add3A_60, %dma_start3A_79] : memref<80x128xi32, #tpu.memory_space<vmem>> -> memref<1x128xi32, #tpu.memory_space<vmem>>
      %dma_start3A_81 = tpu.memref_squeeze %dma_start3A_80 : memref<1x128xi32, #tpu.memory_space<vmem>> -> memref<128xi32, #tpu.memory_space<vmem>>
      %dma_start3A_82 = arith.constant 0 : i32
      %dma_start3A_83 = arith.constant 0 : i32
      %dma_start3A_84 = tpu.memref_slice %arg12[%dma_start3A_82, %dma_start3A_83] : memref<10016x128xbf16, #tpu.memory_space<vmem_shared>> -> memref<10016x128xbf16, #tpu.memory_space<vmem_shared>>
      tpu.enqueue_indirect_dma source(%arg10 : memref<128x128xbf16, #tpu.memory_space<vmem>>) target(%dma_start3A_84 : memref<10016x128xbf16, #tpu.memory_space<vmem_shared>>) offsets(%dma_start3A_81 : memref<128xi32, #tpu.memory_space<vmem>>) semaphore(%arg14 : memref<!tpu.dma_semaphore, #tpu.memory_space<semaphore_mem>>) {add = true}
    }
    %scan3A_17 = arith.constant 40 : i32
    %dma_wait3A = arith.constant 79 : i32
    %dma_wait3A_18 = arith.constant 0 : i32
    %dma_wait3A_19 = tpu.memref_slice %arg8[%dma_wait3A, %dma_wait3A_18] : memref<80x128xi32, #tpu.memory_space<vmem>> -> memref<1x128xi32, #tpu.memory_space<vmem>>
    %dma_wait3A_20 = tpu.memref_squeeze %dma_wait3A_19 : memref<1x128xi32, #tpu.memory_space<vmem>> -> memref<128xi32, #tpu.memory_space<vmem>>
    %dma_wait3A_21 = arith.constant 0 : i32
    %dma_wait3A_22 = arith.constant 0 : i32
    %dma_wait3A_23 = tpu.memref_slice %arg12[%dma_wait3A_21, %dma_wait3A_22] : memref<10016x128xbf16, #tpu.memory_space<vmem_shared>> -> memref<10016x128xbf16, #tpu.memory_space<vmem_shared>>
    tpu.wait_indirect_dma semaphore(%arg14 : memref<!tpu.dma_semaphore, #tpu.memory_space<semaphore_mem>>) src(%arg10 : memref<128x128xbf16, #tpu.memory_space<vmem>>) dst(%dma_wait3A_23 : memref<10016x128xbf16, #tpu.memory_space<vmem_shared>>)
    %barrier3A_24 = arith.constant 0 : index
    tpu.barrier barrier_id(%barrier3A_24)
    %mul3A_25 = arith.constant 626 : i32
    %mul3A_26 = arith.muli %arg1, %mul3A_25 : i32
    %mul3A_27 = arith.constant 10016 : i32
    %mul3A_28 = arith.muli %arg0, %mul3A_27 : i32
    %mul3A_29 = arith.constant 626 : i32
    %mul3A_30 = arith.muli %arg1, %mul3A_29 : i32
    %add3A_31 = arith.addi %mul3A_28, %mul3A_30 : i32
    "tpu.region"() ({
      %run_scoped3A = tpu.sem_alloc : memref<!tpu.dma_semaphore, #tpu.memory_space<semaphore_mem>>
      %dma_start3A_32 = arith.constant 0 : i32
      %dma_start3A_33 = tpu.memref_slice %arg6[%add3A_31, %dma_start3A_32] : memref<20032x128xbf16, #tpu.memory_space<hbm>> -> memref<626x128xbf16, #tpu.memory_space<hbm>>
      %dma_start3A_34 = arith.constant 0 : i32
      %dma_start3A_35 = tpu.memref_slice %arg12[%mul3A_26, %dma_start3A_34] : memref<10016x128xbf16, #tpu.memory_space<vmem_shared>> -> memref<626x128xbf16, #tpu.memory_space<vmem_shared>>
      tpu.enqueue_dma source(%dma_start3A_35 : memref<626x128xbf16, #tpu.memory_space<vmem_shared>>) target(%dma_start3A_33 : memref<626x128xbf16, #tpu.memory_space<hbm>>) target_semaphore(%run_scoped3A : memref<!tpu.dma_semaphore, #tpu.memory_space<semaphore_mem>>)
      %dma_wait3A_36 = arith.constant 0 : i32
      %dma_wait3A_37 = tpu.memref_slice %arg6[%add3A_31, %dma_wait3A_36] : memref<20032x128xbf16, #tpu.memory_space<hbm>> -> memref<626x128xbf16, #tpu.memory_space<hbm>>
      %dma_wait3A_38 = arith.constant 0 : i32
      %dma_wait3A_39 = tpu.memref_slice %arg12[%mul3A_26, %dma_wait3A_38] : memref<10016x128xbf16, #tpu.memory_space<vmem_shared>> -> memref<626x128xbf16, #tpu.memory_space<vmem_shared>>
      tpu.wait_dma2 semaphore(%run_scoped3A : memref<!tpu.dma_semaphore, #tpu.memory_space<semaphore_mem>>) src(%dma_wait3A_39 : memref<626x128xbf16, #tpu.memory_space<vmem_shared>>) dst(%dma_wait3A_37 : memref<626x128xbf16, #tpu.memory_space<hbm>>)
      tpu.yield
    }) : () -> ()
    return
  }
}

#map = affine_map<(d0, d1) -> (0, 0)>
#map1 = affine_map<(d0, d1) -> (0, 0, 0)>
module attributes {stable_mosaic.version = 14 : i64} {
  func.func @_sc_body_nodeg(%arg0: i32, %arg1: i32, %arg2: memref<10000x128xbf16, #tpu.memory_space<hbm>>, %arg3: memref<32x80x128xi32, #tpu.memory_space<hbm>>, %arg4: memref<32x80x128xi32, #tpu.memory_space<hbm>>, %arg5: memref<626x128xbf16, #tpu.memory_space<hbm>>, %arg6: memref<20032x128xbf16, #tpu.memory_space<hbm>>, %arg7: memref<80x128xi32, #tpu.memory_space<vmem>>, %arg8: memref<80x128xi32, #tpu.memory_space<vmem>>, %arg9: memref<128x128xbf16, #tpu.memory_space<vmem>>, %arg10: memref<128x128xbf16, #tpu.memory_space<vmem>>, %arg11: memref<10000x128xbf16, #tpu.memory_space<vmem_shared>>, %arg12: memref<10016x128xbf16, #tpu.memory_space<vmem_shared>>, %arg13: memref<!tpu.dma_semaphore, #tpu.memory_space<semaphore_mem>>, %arg14: memref<!tpu.dma_semaphore, #tpu.memory_space<semaphore_mem>>) attributes {dimension_semantics = [#tpu.dimension_semantics<core_parallel>, #tpu.dimension_semantics<subcore_parallel>], iteration_bounds = array<i64: 2, 16>, scalar_prefetch = 0 : i64, scratch_operands = 8 : i64, tpu.core_type = #tpu.core_type<sc_vector_subcore>, window_params = [{transform_indices = #map}, {transform_indices = #map1}, {transform_indices = #map1}, {transform_indices = #map}, {transform_indices = #map}]} {
    %mul3A = arith.constant 16 : i32
    %mul3A_0 = arith.muli %arg0, %mul3A : i32
    %add3A = arith.addi %mul3A_0, %arg1 : i32
    %mul3A_1 = arith.constant 625 : i32
    %mul3A_2 = arith.muli %arg1, %mul3A_1 : i32
    %mul3A_3 = arith.constant 625 : i32
    %mul3A_4 = arith.muli %arg1, %mul3A_3 : i32
    "tpu.region"() ({
      %run_scoped3A = tpu.sem_alloc : memref<!tpu.dma_semaphore, #tpu.memory_space<semaphore_mem>>
      %dma_start3A_32 = arith.constant 0 : i32
      %dma_start3A_33 = tpu.memref_slice %arg11[%mul3A_4, %dma_start3A_32] : memref<10000x128xbf16, #tpu.memory_space<vmem_shared>> -> memref<625x128xbf16, #tpu.memory_space<vmem_shared>>
      %dma_start3A_34 = arith.constant 0 : i32
      %dma_start3A_35 = tpu.memref_slice %arg2[%mul3A_2, %dma_start3A_34] : memref<10000x128xbf16, #tpu.memory_space<hbm>> -> memref<625x128xbf16, #tpu.memory_space<hbm>>
      tpu.enqueue_dma source(%dma_start3A_35 : memref<625x128xbf16, #tpu.memory_space<hbm>>) target(%dma_start3A_33 : memref<625x128xbf16, #tpu.memory_space<vmem_shared>>) target_semaphore(%run_scoped3A : memref<!tpu.dma_semaphore, #tpu.memory_space<semaphore_mem>>)
      %dma_wait3A_36 = arith.constant 0 : i32
      %dma_wait3A_37 = tpu.memref_slice %arg11[%mul3A_4, %dma_wait3A_36] : memref<10000x128xbf16, #tpu.memory_space<vmem_shared>> -> memref<625x128xbf16, #tpu.memory_space<vmem_shared>>
      %dma_wait3A_38 = arith.constant 0 : i32
      %dma_wait3A_39 = tpu.memref_slice %arg2[%mul3A_2, %dma_wait3A_38] : memref<10000x128xbf16, #tpu.memory_space<hbm>> -> memref<625x128xbf16, #tpu.memory_space<hbm>>
      tpu.wait_dma2 semaphore(%run_scoped3A : memref<!tpu.dma_semaphore, #tpu.memory_space<semaphore_mem>>) src(%dma_wait3A_39 : memref<625x128xbf16, #tpu.memory_space<hbm>>) dst(%dma_wait3A_37 : memref<625x128xbf16, #tpu.memory_space<vmem_shared>>)
      tpu.yield
    }) : () -> ()
    %mul3A_5 = arith.constant 626 : i32
    %mul3A_6 = arith.muli %arg1, %mul3A_5 : i32
    "tpu.region"() ({
      %run_scoped3A = tpu.sem_alloc : memref<!tpu.dma_semaphore, #tpu.memory_space<semaphore_mem>>
      %dma_start3A_32 = arith.constant 0 : i32
      %dma_start3A_33 = tpu.memref_slice %arg12[%mul3A_6, %dma_start3A_32] : memref<10016x128xbf16, #tpu.memory_space<vmem_shared>> -> memref<626x128xbf16, #tpu.memory_space<vmem_shared>>
      tpu.enqueue_dma source(%arg5 : memref<626x128xbf16, #tpu.memory_space<hbm>>) target(%dma_start3A_33 : memref<626x128xbf16, #tpu.memory_space<vmem_shared>>) target_semaphore(%run_scoped3A : memref<!tpu.dma_semaphore, #tpu.memory_space<semaphore_mem>>)
      %dma_wait3A_34 = arith.constant 0 : i32
      %dma_wait3A_35 = tpu.memref_slice %arg12[%mul3A_6, %dma_wait3A_34] : memref<10016x128xbf16, #tpu.memory_space<vmem_shared>> -> memref<626x128xbf16, #tpu.memory_space<vmem_shared>>
      tpu.wait_dma2 semaphore(%run_scoped3A : memref<!tpu.dma_semaphore, #tpu.memory_space<semaphore_mem>>) src(%arg5 : memref<626x128xbf16, #tpu.memory_space<hbm>>) dst(%dma_wait3A_35 : memref<626x128xbf16, #tpu.memory_space<vmem_shared>>)
      tpu.yield
    }) : () -> ()
    %barrier3A = arith.constant 0 : index
    tpu.barrier barrier_id(%barrier3A)
    "tpu.region"() ({
      %run_scoped3A = tpu.sem_alloc : memref<!tpu.dma_semaphore, #tpu.memory_space<semaphore_mem>>
      %dma_start3A_32 = arith.constant 0 : i32
      %dma_start3A_33 = arith.constant 0 : i32
      %dma_start3A_34 = tpu.memref_slice %arg3[%add3A, %dma_start3A_32, %dma_start3A_33] : memref<32x80x128xi32, #tpu.memory_space<hbm>> -> memref<1x80x128xi32, #tpu.memory_space<hbm>>
      %dma_start3A_35 = tpu.memref_squeeze %dma_start3A_34 : memref<1x80x128xi32, #tpu.memory_space<hbm>> -> memref<80x128xi32, #tpu.memory_space<hbm>>
      %dma_start3A_36 = arith.constant 0 : i32
      %dma_start3A_37 = arith.constant 0 : i32
      %dma_start3A_38 = tpu.memref_slice %arg3[%add3A, %dma_start3A_36, %dma_start3A_37] : memref<32x80x128xi32, #tpu.memory_space<hbm>> -> memref<1x80x128xi32, #tpu.memory_space<hbm>>
      %dma_start3A_39 = tpu.memref_squeeze %dma_start3A_38 : memref<1x80x128xi32, #tpu.memory_space<hbm>> -> memref<80x128xi32, #tpu.memory_space<hbm>>
      tpu.enqueue_dma source(%dma_start3A_39 : memref<80x128xi32, #tpu.memory_space<hbm>>) target(%arg7 : memref<80x128xi32, #tpu.memory_space<vmem>>) target_semaphore(%run_scoped3A : memref<!tpu.dma_semaphore, #tpu.memory_space<semaphore_mem>>)
      %dma_wait3A_40 = arith.constant 0 : i32
      %dma_wait3A_41 = arith.constant 0 : i32
      %dma_wait3A_42 = tpu.memref_slice %arg3[%add3A, %dma_wait3A_40, %dma_wait3A_41] : memref<32x80x128xi32, #tpu.memory_space<hbm>> -> memref<1x80x128xi32, #tpu.memory_space<hbm>>
      %dma_wait3A_43 = tpu.memref_squeeze %dma_wait3A_42 : memref<1x80x128xi32, #tpu.memory_space<hbm>> -> memref<80x128xi32, #tpu.memory_space<hbm>>
      %dma_wait3A_44 = arith.constant 0 : i32
      %dma_wait3A_45 = arith.constant 0 : i32
      %dma_wait3A_46 = tpu.memref_slice %arg3[%add3A, %dma_wait3A_44, %dma_wait3A_45] : memref<32x80x128xi32, #tpu.memory_space<hbm>> -> memref<1x80x128xi32, #tpu.memory_space<hbm>>
      %dma_wait3A_47 = tpu.memref_squeeze %dma_wait3A_46 : memref<1x80x128xi32, #tpu.memory_space<hbm>> -> memref<80x128xi32, #tpu.memory_space<hbm>>
      tpu.wait_dma2 semaphore(%run_scoped3A : memref<!tpu.dma_semaphore, #tpu.memory_space<semaphore_mem>>) src(%dma_wait3A_47 : memref<80x128xi32, #tpu.memory_space<hbm>>) dst(%arg7 : memref<80x128xi32, #tpu.memory_space<vmem>>)
      tpu.yield
    }) : () -> ()
    "tpu.region"() ({
      %run_scoped3A = tpu.sem_alloc : memref<!tpu.dma_semaphore, #tpu.memory_space<semaphore_mem>>
      %dma_start3A_32 = arith.constant 0 : i32
      %dma_start3A_33 = arith.constant 0 : i32
      %dma_start3A_34 = tpu.memref_slice %arg4[%add3A, %dma_start3A_32, %dma_start3A_33] : memref<32x80x128xi32, #tpu.memory_space<hbm>> -> memref<1x80x128xi32, #tpu.memory_space<hbm>>
      %dma_start3A_35 = tpu.memref_squeeze %dma_start3A_34 : memref<1x80x128xi32, #tpu.memory_space<hbm>> -> memref<80x128xi32, #tpu.memory_space<hbm>>
      %dma_start3A_36 = arith.constant 0 : i32
      %dma_start3A_37 = arith.constant 0 : i32
      %dma_start3A_38 = tpu.memref_slice %arg4[%add3A, %dma_start3A_36, %dma_start3A_37] : memref<32x80x128xi32, #tpu.memory_space<hbm>> -> memref<1x80x128xi32, #tpu.memory_space<hbm>>
      %dma_start3A_39 = tpu.memref_squeeze %dma_start3A_38 : memref<1x80x128xi32, #tpu.memory_space<hbm>> -> memref<80x128xi32, #tpu.memory_space<hbm>>
      tpu.enqueue_dma source(%dma_start3A_39 : memref<80x128xi32, #tpu.memory_space<hbm>>) target(%arg8 : memref<80x128xi32, #tpu.memory_space<vmem>>) target_semaphore(%run_scoped3A : memref<!tpu.dma_semaphore, #tpu.memory_space<semaphore_mem>>)
      %dma_wait3A_40 = arith.constant 0 : i32
      %dma_wait3A_41 = arith.constant 0 : i32
      %dma_wait3A_42 = tpu.memref_slice %arg4[%add3A, %dma_wait3A_40, %dma_wait3A_41] : memref<32x80x128xi32, #tpu.memory_space<hbm>> -> memref<1x80x128xi32, #tpu.memory_space<hbm>>
      %dma_wait3A_43 = tpu.memref_squeeze %dma_wait3A_42 : memref<1x80x128xi32, #tpu.memory_space<hbm>> -> memref<80x128xi32, #tpu.memory_space<hbm>>
      %dma_wait3A_44 = arith.constant 0 : i32
      %dma_wait3A_45 = arith.constant 0 : i32
      %dma_wait3A_46 = tpu.memref_slice %arg4[%add3A, %dma_wait3A_44, %dma_wait3A_45] : memref<32x80x128xi32, #tpu.memory_space<hbm>> -> memref<1x80x128xi32, #tpu.memory_space<hbm>>
      %dma_wait3A_47 = tpu.memref_squeeze %dma_wait3A_46 : memref<1x80x128xi32, #tpu.memory_space<hbm>> -> memref<80x128xi32, #tpu.memory_space<hbm>>
      tpu.wait_dma2 semaphore(%run_scoped3A : memref<!tpu.dma_semaphore, #tpu.memory_space<semaphore_mem>>) src(%dma_wait3A_47 : memref<80x128xi32, #tpu.memory_space<hbm>>) dst(%arg8 : memref<80x128xi32, #tpu.memory_space<vmem>>)
      tpu.yield
    }) : () -> ()
    %dma_start3A = arith.constant 0 : i32
    %dma_start3A_7 = arith.constant 0 : i32
    %dma_start3A_8 = tpu.memref_slice %arg7[%dma_start3A, %dma_start3A_7] : memref<80x128xi32, #tpu.memory_space<vmem>> -> memref<1x128xi32, #tpu.memory_space<vmem>>
    %dma_start3A_9 = tpu.memref_squeeze %dma_start3A_8 : memref<1x128xi32, #tpu.memory_space<vmem>> -> memref<128xi32, #tpu.memory_space<vmem>>
    %dma_start3A_10 = arith.constant 0 : i32
    %dma_start3A_11 = arith.constant 0 : i32
    %dma_start3A_12 = tpu.memref_slice %arg11[%dma_start3A_10, %dma_start3A_11] : memref<10000x128xbf16, #tpu.memory_space<vmem_shared>> -> memref<10000x128xbf16, #tpu.memory_space<vmem_shared>>
    tpu.enqueue_indirect_dma source(%dma_start3A_12 : memref<10000x128xbf16, #tpu.memory_space<vmem_shared>>) target(%arg9 : memref<128x128xbf16, #tpu.memory_space<vmem>>) offsets(%dma_start3A_9 : memref<128xi32, #tpu.memory_space<vmem>>) semaphore(%arg13 : memref<!tpu.dma_semaphore, #tpu.memory_space<semaphore_mem>>)
    %scan3A = arith.constant 0 : i32
    %scan3A_13 = arith.constant 0 : i32
    %scan3A_14 = arith.constant 40 : i32
    %scan3A_15 = arith.addi %scan3A_13, %scan3A_14 : i32
    %scan3A_16 = arith.constant 1 : i32
    scf.for %scan3A_32 = %scan3A_13 to %scan3A_15 step %scan3A_16  : i32 {
      %mul3A_33 = arith.constant 2 : i32
      %mul3A_34 = arith.muli %scan3A_32, %mul3A_33 : i32
      %add3A_35 = arith.constant 0 : i32
      %add3A_36 = arith.addi %mul3A_34, %add3A_35 : i32
      %dma_wait3A_37 = arith.constant 0 : i32
      %dma_wait3A_38 = tpu.memref_slice %arg7[%add3A_36, %dma_wait3A_37] : memref<80x128xi32, #tpu.memory_space<vmem>> -> memref<1x128xi32, #tpu.memory_space<vmem>>
      %dma_wait3A_39 = tpu.memref_squeeze %dma_wait3A_38 : memref<1x128xi32, #tpu.memory_space<vmem>> -> memref<128xi32, #tpu.memory_space<vmem>>
      %dma_wait3A_40 = arith.constant 0 : i32
      %dma_wait3A_41 = arith.constant 0 : i32
      %dma_wait3A_42 = tpu.memref_slice %arg11[%dma_wait3A_40, %dma_wait3A_41] : memref<10000x128xbf16, #tpu.memory_space<vmem_shared>> -> memref<10000x128xbf16, #tpu.memory_space<vmem_shared>>
      tpu.wait_indirect_dma semaphore(%arg13 : memref<!tpu.dma_semaphore, #tpu.memory_space<semaphore_mem>>) src(%dma_wait3A_42 : memref<10000x128xbf16, #tpu.memory_space<vmem_shared>>) dst(%arg9 : memref<128x128xbf16, #tpu.memory_space<vmem>>)
      %ge3A = arith.constant 1 : i32
      %ge3A_43 = arith.cmpi sge, %add3A_36, %ge3A : i32
      %convert_element_type3A = arith.extui %ge3A_43 : i1 to i32
      %cond3A = arith.constant 0 : i32
      %cond3A_44 = arith.cmpi ne, %convert_element_type3A, %cond3A : i32
      scf.if %cond3A_44 {
        %sub3A = arith.constant 1 : i32
        %sub3A_85 = arith.subi %add3A_36, %sub3A : i32
        %dma_wait3A_86 = arith.constant 0 : i32
        %dma_wait3A_87 = tpu.memref_slice %arg8[%sub3A_85, %dma_wait3A_86] : memref<80x128xi32, #tpu.memory_space<vmem>> -> memref<1x128xi32, #tpu.memory_space<vmem>>
        %dma_wait3A_88 = tpu.memref_squeeze %dma_wait3A_87 : memref<1x128xi32, #tpu.memory_space<vmem>> -> memref<128xi32, #tpu.memory_space<vmem>>
        %dma_wait3A_89 = arith.constant 0 : i32
        %dma_wait3A_90 = arith.constant 0 : i32
        %dma_wait3A_91 = tpu.memref_slice %arg12[%dma_wait3A_89, %dma_wait3A_90] : memref<10016x128xbf16, #tpu.memory_space<vmem_shared>> -> memref<10016x128xbf16, #tpu.memory_space<vmem_shared>>
        tpu.wait_indirect_dma semaphore(%arg14 : memref<!tpu.dma_semaphore, #tpu.memory_space<semaphore_mem>>) src(%arg10 : memref<128x128xbf16, #tpu.memory_space<vmem>>) dst(%dma_wait3A_91 : memref<10016x128xbf16, #tpu.memory_space<vmem_shared>>)
      } else {
      }
      %add3A_45 = arith.constant 1 : i32
      %add3A_46 = arith.addi %add3A_36, %add3A_45 : i32
      %lt3A = arith.constant 80 : i32
      %lt3A_47 = arith.cmpi slt, %add3A_46, %lt3A : i32
      %convert_element_type3A_48 = arith.extui %lt3A_47 : i1 to i32
      %cond3A_49 = arith.constant 0 : i32
      %cond3A_50 = arith.cmpi ne, %convert_element_type3A_48, %cond3A_49 : i32
      scf.if %cond3A_50 {
        %add3A_85 = arith.constant 1 : i32
        %add3A_86 = arith.addi %add3A_36, %add3A_85 : i32
        %dma_start3A_87 = arith.constant 0 : i32
        %dma_start3A_88 = tpu.memref_slice %arg7[%add3A_86, %dma_start3A_87] : memref<80x128xi32, #tpu.memory_space<vmem>> -> memref<1x128xi32, #tpu.memory_space<vmem>>
        %dma_start3A_89 = tpu.memref_squeeze %dma_start3A_88 : memref<1x128xi32, #tpu.memory_space<vmem>> -> memref<128xi32, #tpu.memory_space<vmem>>
        %dma_start3A_90 = arith.constant 0 : i32
        %dma_start3A_91 = arith.constant 0 : i32
        %dma_start3A_92 = tpu.memref_slice %arg11[%dma_start3A_90, %dma_start3A_91] : memref<10000x128xbf16, #tpu.memory_space<vmem_shared>> -> memref<10000x128xbf16, #tpu.memory_space<vmem_shared>>
        tpu.enqueue_indirect_dma source(%dma_start3A_92 : memref<10000x128xbf16, #tpu.memory_space<vmem_shared>>) target(%arg10 : memref<128x128xbf16, #tpu.memory_space<vmem>>) offsets(%dma_start3A_89 : memref<128xi32, #tpu.memory_space<vmem>>) semaphore(%arg13 : memref<!tpu.dma_semaphore, #tpu.memory_space<semaphore_mem>>)
      } else {
      }
      %dma_start3A_51 = arith.constant 0 : i32
      %dma_start3A_52 = tpu.memref_slice %arg8[%add3A_36, %dma_start3A_51] : memref<80x128xi32, #tpu.memory_space<vmem>> -> memref<1x128xi32, #tpu.memory_space<vmem>>
      %dma_start3A_53 = tpu.memref_squeeze %dma_start3A_52 : memref<1x128xi32, #tpu.memory_space<vmem>> -> memref<128xi32, #tpu.memory_space<vmem>>
      %dma_start3A_54 = arith.constant 0 : i32
      %dma_start3A_55 = arith.constant 0 : i32
      %dma_start3A_56 = tpu.memref_slice %arg12[%dma_start3A_54, %dma_start3A_55] : memref<10016x128xbf16, #tpu.memory_space<vmem_shared>> -> memref<10016x128xbf16, #tpu.memory_space<vmem_shared>>
      tpu.enqueue_indirect_dma source(%arg9 : memref<128x128xbf16, #tpu.memory_space<vmem>>) target(%dma_start3A_56 : memref<10016x128xbf16, #tpu.memory_space<vmem_shared>>) offsets(%dma_start3A_53 : memref<128xi32, #tpu.memory_space<vmem>>) semaphore(%arg14 : memref<!tpu.dma_semaphore, #tpu.memory_space<semaphore_mem>>) {add = true}
      %mul3A_57 = arith.constant 2 : i32
      %mul3A_58 = arith.muli %scan3A_32, %mul3A_57 : i32
      %add3A_59 = arith.constant 1 : i32
      %add3A_60 = arith.addi %mul3A_58, %add3A_59 : i32
      %dma_wait3A_61 = arith.constant 0 : i32
      %dma_wait3A_62 = tpu.memref_slice %arg7[%add3A_60, %dma_wait3A_61] : memref<80x128xi32, #tpu.memory_space<vmem>> -> memref<1x128xi32, #tpu.memory_space<vmem>>
      %dma_wait3A_63 = tpu.memref_squeeze %dma_wait3A_62 : memref<1x128xi32, #tpu.memory_space<vmem>> -> memref<128xi32, #tpu.memory_space<vmem>>
      %dma_wait3A_64 = arith.constant 0 : i32
      %dma_wait3A_65 = arith.constant 0 : i32
      %dma_wait3A_66 = tpu.memref_slice %arg11[%dma_wait3A_64, %dma_wait3A_65] : memref<10000x128xbf16, #tpu.memory_space<vmem_shared>> -> memref<10000x128xbf16, #tpu.memory_space<vmem_shared>>
      tpu.wait_indirect_dma semaphore(%arg13 : memref<!tpu.dma_semaphore, #tpu.memory_space<semaphore_mem>>) src(%dma_wait3A_66 : memref<10000x128xbf16, #tpu.memory_space<vmem_shared>>) dst(%arg10 : memref<128x128xbf16, #tpu.memory_space<vmem>>)
      %ge3A_67 = arith.constant 1 : i32
      %ge3A_68 = arith.cmpi sge, %add3A_60, %ge3A_67 : i32
      %convert_element_type3A_69 = arith.extui %ge3A_68 : i1 to i32
      %cond3A_70 = arith.constant 0 : i32
      %cond3A_71 = arith.cmpi ne, %convert_element_type3A_69, %cond3A_70 : i32
      scf.if %cond3A_71 {
        %sub3A = arith.constant 1 : i32
        %sub3A_85 = arith.subi %add3A_60, %sub3A : i32
        %dma_wait3A_86 = arith.constant 0 : i32
        %dma_wait3A_87 = tpu.memref_slice %arg8[%sub3A_85, %dma_wait3A_86] : memref<80x128xi32, #tpu.memory_space<vmem>> -> memref<1x128xi32, #tpu.memory_space<vmem>>
        %dma_wait3A_88 = tpu.memref_squeeze %dma_wait3A_87 : memref<1x128xi32, #tpu.memory_space<vmem>> -> memref<128xi32, #tpu.memory_space<vmem>>
        %dma_wait3A_89 = arith.constant 0 : i32
        %dma_wait3A_90 = arith.constant 0 : i32
        %dma_wait3A_91 = tpu.memref_slice %arg12[%dma_wait3A_89, %dma_wait3A_90] : memref<10016x128xbf16, #tpu.memory_space<vmem_shared>> -> memref<10016x128xbf16, #tpu.memory_space<vmem_shared>>
        tpu.wait_indirect_dma semaphore(%arg14 : memref<!tpu.dma_semaphore, #tpu.memory_space<semaphore_mem>>) src(%arg9 : memref<128x128xbf16, #tpu.memory_space<vmem>>) dst(%dma_wait3A_91 : memref<10016x128xbf16, #tpu.memory_space<vmem_shared>>)
      } else {
      }
      %add3A_72 = arith.constant 1 : i32
      %add3A_73 = arith.addi %add3A_60, %add3A_72 : i32
      %lt3A_74 = arith.constant 80 : i32
      %lt3A_75 = arith.cmpi slt, %add3A_73, %lt3A_74 : i32
      %convert_element_type3A_76 = arith.extui %lt3A_75 : i1 to i32
      %cond3A_77 = arith.constant 0 : i32
      %cond3A_78 = arith.cmpi ne, %convert_element_type3A_76, %cond3A_77 : i32
      scf.if %cond3A_78 {
        %add3A_85 = arith.constant 1 : i32
        %add3A_86 = arith.addi %add3A_60, %add3A_85 : i32
        %dma_start3A_87 = arith.constant 0 : i32
        %dma_start3A_88 = tpu.memref_slice %arg7[%add3A_86, %dma_start3A_87] : memref<80x128xi32, #tpu.memory_space<vmem>> -> memref<1x128xi32, #tpu.memory_space<vmem>>
        %dma_start3A_89 = tpu.memref_squeeze %dma_start3A_88 : memref<1x128xi32, #tpu.memory_space<vmem>> -> memref<128xi32, #tpu.memory_space<vmem>>
        %dma_start3A_90 = arith.constant 0 : i32
        %dma_start3A_91 = arith.constant 0 : i32
        %dma_start3A_92 = tpu.memref_slice %arg11[%dma_start3A_90, %dma_start3A_91] : memref<10000x128xbf16, #tpu.memory_space<vmem_shared>> -> memref<10000x128xbf16, #tpu.memory_space<vmem_shared>>
        tpu.enqueue_indirect_dma source(%dma_start3A_92 : memref<10000x128xbf16, #tpu.memory_space<vmem_shared>>) target(%arg9 : memref<128x128xbf16, #tpu.memory_space<vmem>>) offsets(%dma_start3A_89 : memref<128xi32, #tpu.memory_space<vmem>>) semaphore(%arg13 : memref<!tpu.dma_semaphore, #tpu.memory_space<semaphore_mem>>)
      } else {
      }
      %dma_start3A_79 = arith.constant 0 : i32
      %dma_start3A_80 = tpu.memref_slice %arg8[%add3A_60, %dma_start3A_79] : memref<80x128xi32, #tpu.memory_space<vmem>> -> memref<1x128xi32, #tpu.memory_space<vmem>>
      %dma_start3A_81 = tpu.memref_squeeze %dma_start3A_80 : memref<1x128xi32, #tpu.memory_space<vmem>> -> memref<128xi32, #tpu.memory_space<vmem>>
      %dma_start3A_82 = arith.constant 0 : i32
      %dma_start3A_83 = arith.constant 0 : i32
      %dma_start3A_84 = tpu.memref_slice %arg12[%dma_start3A_82, %dma_start3A_83] : memref<10016x128xbf16, #tpu.memory_space<vmem_shared>> -> memref<10016x128xbf16, #tpu.memory_space<vmem_shared>>
      tpu.enqueue_indirect_dma source(%arg10 : memref<128x128xbf16, #tpu.memory_space<vmem>>) target(%dma_start3A_84 : memref<10016x128xbf16, #tpu.memory_space<vmem_shared>>) offsets(%dma_start3A_81 : memref<128xi32, #tpu.memory_space<vmem>>) semaphore(%arg14 : memref<!tpu.dma_semaphore, #tpu.memory_space<semaphore_mem>>) {add = true}
    }
    %scan3A_17 = arith.constant 40 : i32
    %dma_wait3A = arith.constant 79 : i32
    %dma_wait3A_18 = arith.constant 0 : i32
    %dma_wait3A_19 = tpu.memref_slice %arg8[%dma_wait3A, %dma_wait3A_18] : memref<80x128xi32, #tpu.memory_space<vmem>> -> memref<1x128xi32, #tpu.memory_space<vmem>>
    %dma_wait3A_20 = tpu.memref_squeeze %dma_wait3A_19 : memref<1x128xi32, #tpu.memory_space<vmem>> -> memref<128xi32, #tpu.memory_space<vmem>>
    %dma_wait3A_21 = arith.constant 0 : i32
    %dma_wait3A_22 = arith.constant 0 : i32
    %dma_wait3A_23 = tpu.memref_slice %arg12[%dma_wait3A_21, %dma_wait3A_22] : memref<10016x128xbf16, #tpu.memory_space<vmem_shared>> -> memref<10016x128xbf16, #tpu.memory_space<vmem_shared>>
    tpu.wait_indirect_dma semaphore(%arg14 : memref<!tpu.dma_semaphore, #tpu.memory_space<semaphore_mem>>) src(%arg10 : memref<128x128xbf16, #tpu.memory_space<vmem>>) dst(%dma_wait3A_23 : memref<10016x128xbf16, #tpu.memory_space<vmem_shared>>)
    %barrier3A_24 = arith.constant 0 : index
    tpu.barrier barrier_id(%barrier3A_24)
    %mul3A_25 = arith.constant 626 : i32
    %mul3A_26 = arith.muli %arg1, %mul3A_25 : i32
    %mul3A_27 = arith.constant 10016 : i32
    %mul3A_28 = arith.muli %arg0, %mul3A_27 : i32
    %mul3A_29 = arith.constant 626 : i32
    %mul3A_30 = arith.muli %arg1, %mul3A_29 : i32
    %add3A_31 = arith.addi %mul3A_28, %mul3A_30 : i32
    "tpu.region"() ({
      %run_scoped3A = tpu.sem_alloc : memref<!tpu.dma_semaphore, #tpu.memory_space<semaphore_mem>>
      %dma_start3A_32 = arith.constant 0 : i32
      %dma_start3A_33 = tpu.memref_slice %arg6[%add3A_31, %dma_start3A_32] : memref<20032x128xbf16, #tpu.memory_space<hbm>> -> memref<626x128xbf16, #tpu.memory_space<hbm>>
      %dma_start3A_34 = arith.constant 0 : i32
      %dma_start3A_35 = tpu.memref_slice %arg12[%mul3A_26, %dma_start3A_34] : memref<10016x128xbf16, #tpu.memory_space<vmem_shared>> -> memref<626x128xbf16, #tpu.memory_space<vmem_shared>>
      tpu.enqueue_dma source(%dma_start3A_35 : memref<626x128xbf16, #tpu.memory_space<vmem_shared>>) target(%dma_start3A_33 : memref<626x128xbf16, #tpu.memory_space<hbm>>) target_semaphore(%run_scoped3A : memref<!tpu.dma_semaphore, #tpu.memory_space<semaphore_mem>>)
      %dma_wait3A_36 = arith.constant 0 : i32
      %dma_wait3A_37 = tpu.memref_slice %arg6[%add3A_31, %dma_wait3A_36] : memref<20032x128xbf16, #tpu.memory_space<hbm>> -> memref<626x128xbf16, #tpu.memory_space<hbm>>
      %dma_wait3A_38 = arith.constant 0 : i32
      %dma_wait3A_39 = tpu.memref_slice %arg12[%mul3A_26, %dma_wait3A_38] : memref<10016x128xbf16, #tpu.memory_space<vmem_shared>> -> memref<626x128xbf16, #tpu.memory_space<vmem_shared>>
      tpu.wait_dma2 semaphore(%run_scoped3A : memref<!tpu.dma_semaphore, #tpu.memory_space<semaphore_mem>>) src(%dma_wait3A_39 : memref<626x128xbf16, #tpu.memory_space<vmem_shared>>) dst(%dma_wait3A_37 : memref<626x128xbf16, #tpu.memory_space<hbm>>)
      tpu.yield
    }) : () -> ()
    return
  }
}

module attributes {stable_mosaic.version = 14 : i64} {
  func.func @_tc0_body(%arg0: i32, %arg1: memref<2000x128xf32, #tpu.memory_space<vmem>>, %arg2: memref<2000x1xi32, #tpu.memory_space<vmem>>, %arg3: memref<2000x1xi32, #tpu.memory_space<vmem>>, %arg4: memref<16x32xf32, #tpu.memory_space<vmem>>, %arg5: memref<64x16xf32, #tpu.memory_space<vmem>>, %arg6: memref<176x128xf32, #tpu.memory_space<vmem>>, %arg7: memref<176x128xf32, #tpu.memory_space<vmem>>, %arg8: memref<2000x128xbf16, #tpu.memory_space<vmem>>, %arg9: memref<2000x128xf32, #tpu.memory_space<vmem>>) attributes {dimension_semantics = [#tpu.dimension_semantics<arbitrary>], iteration_bounds = array<i64: 5>, scalar_prefetch = 0 : i64, scratch_operands = 0 : i64, tpu.core_type = #tpu.core_type<tc>, window_params = [{transform_indices = @transform_0, window_bounds = array<i64: 2000, 128>}, {transform_indices = @transform_1, window_bounds = array<i64: 2000, 1>}, {transform_indices = @transform_2, window_bounds = array<i64: 2000, 1>}, {pipeline_mode = #tpu.pipeline_mode<synchronous>, transform_indices = @transform_3, window_bounds = array<i64: 16, 32>}, {pipeline_mode = #tpu.pipeline_mode<synchronous>, transform_indices = @transform_4, window_bounds = array<i64: 64, 16>}, {pipeline_mode = #tpu.pipeline_mode<synchronous>, transform_indices = @transform_5, window_bounds = array<i64: 176, 128>}, {pipeline_mode = #tpu.pipeline_mode<synchronous>, transform_indices = @transform_6, window_bounds = array<i64: 176, 128>}, {transform_indices = @transform_7, window_bounds = array<i64: 2000, 128>}, {transform_indices = @transform_8, window_bounds = array<i64: 2000, 128>}]} {
    %get3A = arith.constant 0 : index
    %get3A_0 = arith.constant 0 : index
    %get3A_1 = vector.load %arg1[%get3A, %get3A_0] : memref<2000x128xf32, #tpu.memory_space<vmem>>, vector<2000x128xf32>
    %iota3A = tpu.iota {dimensions = array<i32: 1>} : vector<2000x16xi32>
    %get3A_2 = arith.constant 0 : index
    %get3A_3 = arith.constant 0 : index
    %get3A_4 = vector.load %arg2[%get3A_2, %get3A_3] : memref<2000x1xi32, #tpu.memory_space<vmem>>, vector<2000x1xi32>
    %eq3A = vector.broadcast %get3A_4 : vector<2000x1xi32> to vector<2000x16xi32>
    %eq3A_5 = arith.cmpi eq, %iota3A, %eq3A : vector<2000x16xi32>
    %convert_element_type3A = arith.extui %eq3A_5 : vector<2000x16xi1> to vector<2000x16xi32>
    %convert_element_type3A_6 = arith.sitofp %convert_element_type3A : vector<2000x16xi32> to vector<2000x16xf32>
    %get3A_7 = arith.constant 0 : index
    %get3A_8 = arith.constant 0 : index
    %get3A_9 = vector.load %arg4[%get3A_7, %get3A_8] : memref<16x32xf32, #tpu.memory_space<vmem>>, vector<16x32xf32>
    %dot_general3A = arith.constant dense<0.000000e+00> : vector<2000x32xf32>
    %dot_general3A_10 = tpu.matmul %convert_element_type3A_6, %get3A_9, %dot_general3A {dimension_numbers = #tpu.dot_dimension_numbers<[1], [0], [0], [1], [0, 0, 1, 1], [], []>, transpose_lhs_hint = false} : vector<2000x16xf32>, vector<16x32xf32>, vector<2000x32xf32> -> vector<2000x32xf32>
    %iota3A_11 = tpu.iota {dimensions = array<i32: 1>} : vector<2000x64xi32>
    %get3A_12 = arith.constant 0 : index
    %get3A_13 = arith.constant 0 : index
    %get3A_14 = vector.load %arg3[%get3A_12, %get3A_13] : memref<2000x1xi32, #tpu.memory_space<vmem>>, vector<2000x1xi32>
    %eq3A_15 = vector.broadcast %get3A_14 : vector<2000x1xi32> to vector<2000x64xi32>
    %eq3A_16 = arith.cmpi eq, %iota3A_11, %eq3A_15 : vector<2000x64xi32>
    %convert_element_type3A_17 = arith.extui %eq3A_16 : vector<2000x64xi1> to vector<2000x64xi32>
    %convert_element_type3A_18 = arith.sitofp %convert_element_type3A_17 : vector<2000x64xi32> to vector<2000x64xf32>
    %get3A_19 = arith.constant 0 : index
    %get3A_20 = arith.constant 0 : index
    %get3A_21 = vector.load %arg5[%get3A_19, %get3A_20] : memref<64x16xf32, #tpu.memory_space<vmem>>, vector<64x16xf32>
    %dot_general3A_22 = arith.constant dense<0.000000e+00> : vector<2000x16xf32>
    %dot_general3A_23 = tpu.matmul %convert_element_type3A_18, %get3A_21, %dot_general3A_22 {dimension_numbers = #tpu.dot_dimension_numbers<[1], [0], [0], [1], [0, 0, 1, 1], [], []>, transpose_lhs_hint = false} : vector<2000x64xf32>, vector<64x16xf32>, vector<2000x16xf32> -> vector<2000x16xf32>
    %concatenate3A = tpu.concatenate %get3A_1, %dot_general3A_10, %dot_general3A_23 in 1 : vector<2000x128xf32>, vector<2000x32xf32>, vector<2000x16xf32> -> vector<2000x176xf32>
    %get3A_24 = arith.constant 0 : index
    %get3A_25 = arith.constant 0 : index
    %get3A_26 = vector.load %arg6[%get3A_24, %get3A_25] : memref<176x128xf32, #tpu.memory_space<vmem>>, vector<176x128xf32>
    %dot_general3A_27 = arith.constant dense<0.000000e+00> : vector<2000x128xf32>
    %dot_general3A_28 = tpu.matmul %concatenate3A, %get3A_26, %dot_general3A_27 {dimension_numbers = #tpu.dot_dimension_numbers<[1], [0], [0], [1], [0, 0, 1, 1], [], []>, transpose_lhs_hint = false} : vector<2000x176xf32>, vector<176x128xf32>, vector<2000x128xf32> -> vector<2000x128xf32>
    %convert_element_type3A_29 = arith.truncf %dot_general3A_28 : vector<2000x128xf32> to vector<2000x128xbf16>
    %swap3A = arith.constant 0 : index
    %swap3A_30 = arith.constant 0 : index
    %swap3A_31 = vector.load %arg8[%swap3A, %swap3A_30] : memref<2000x128xbf16, #tpu.memory_space<vmem>>, vector<2000x128xbf16>
    tpu.vector_store %arg8[%swap3A, %swap3A_30], %convert_element_type3A_29 {strides = array<i32>} : memref<2000x128xbf16, #tpu.memory_space<vmem>>, vector<2000x128xbf16>,
    %get3A_32 = arith.constant 0 : index
    %get3A_33 = arith.constant 0 : index
    %get3A_34 = vector.load %arg7[%get3A_32, %get3A_33] : memref<176x128xf32, #tpu.memory_space<vmem>>, vector<176x128xf32>
    %dot_general3A_35 = arith.constant dense<0.000000e+00> : vector<2000x128xf32>
    %dot_general3A_36 = tpu.matmul %concatenate3A, %get3A_34, %dot_general3A_35 {dimension_numbers = #tpu.dot_dimension_numbers<[1], [0], [0], [1], [0, 0, 1, 1], [], []>, transpose_lhs_hint = false} : vector<2000x176xf32>, vector<176x128xf32>, vector<2000x128xf32> -> vector<2000x128xf32>
    %swap3A_37 = arith.constant 0 : index
    %swap3A_38 = arith.constant 0 : index
    %swap3A_39 = vector.load %arg9[%swap3A_37, %swap3A_38] : memref<2000x128xf32, #tpu.memory_space<vmem>>, vector<2000x128xf32>
    tpu.vector_store %arg9[%swap3A_37, %swap3A_38], %dot_general3A_36 {strides = array<i32>} : memref<2000x128xf32, #tpu.memory_space<vmem>>, vector<2000x128xf32>,
    return
  }
  func.func @transform_0(%arg0: i32) -> (i32, i32) {
    %c0_i32 = arith.constant 0 : i32
    %c0_i32_0 = arith.constant 0 : i32
    return %arg0, %c0_i32 : i32, i32
  }
  func.func @transform_1(%arg0: i32) -> (i32, i32) {
    %c0_i32 = arith.constant 0 : i32
    %c0_i32_0 = arith.constant 0 : i32
    return %arg0, %c0_i32 : i32, i32
  }
  func.func @transform_2(%arg0: i32) -> (i32, i32) {
    %c0_i32 = arith.constant 0 : i32
    %c0_i32_0 = arith.constant 0 : i32
    return %arg0, %c0_i32 : i32, i32
  }
  func.func @transform_3(%arg0: i32) -> (i32, i32) {
    %c0_i32 = arith.constant 0 : i32
    %c0_i32_0 = arith.constant 0 : i32
    %c0_i32_1 = arith.constant 0 : i32
    return %c0_i32, %c0_i32_0 : i32, i32
  }
  func.func @transform_4(%arg0: i32) -> (i32, i32) {
    %c0_i32 = arith.constant 0 : i32
    %c0_i32_0 = arith.constant 0 : i32
    %c0_i32_1 = arith.constant 0 : i32
    return %c0_i32, %c0_i32_0 : i32, i32
  }
  func.func @transform_5(%arg0: i32) -> (i32, i32) {
    %c0_i32 = arith.constant 0 : i32
    %c0_i32_0 = arith.constant 0 : i32
    %c0_i32_1 = arith.constant 0 : i32
    return %c0_i32, %c0_i32_0 : i32, i32
  }
  func.func @transform_6(%arg0: i32) -> (i32, i32) {
    %c0_i32 = arith.constant 0 : i32
    %c0_i32_0 = arith.constant 0 : i32
    %c0_i32_1 = arith.constant 0 : i32
    return %c0_i32, %c0_i32_0 : i32, i32
  }
  func.func @transform_7(%arg0: i32) -> (i32, i32) {
    %c0_i32 = arith.constant 0 : i32
    %c0_i32_0 = arith.constant 0 : i32
    return %arg0, %c0_i32 : i32, i32
  }
  func.func @transform_8(%arg0: i32) -> (i32, i32) {
    %c0_i32 = arith.constant 0 : i32
    %c0_i32_0 = arith.constant 0 : i32
    return %arg0, %c0_i32 : i32, i32
  }
}

module attributes {stable_mosaic.version = 14 : i64} {
  func.func @_tcmid_first_body(%arg0: i32, %arg1: memref<2000x128xf32, #tpu.memory_space<vmem>>, %arg2: memref<2x2000x128xbf16, #tpu.memory_space<vmem>>, %arg3: memref<2x2000x32xbf16, #tpu.memory_space<vmem>>, %arg4: memref<128x128xf32, #tpu.memory_space<vmem>>, %arg5: memref<128x128xf32, #tpu.memory_space<vmem>>, %arg6: memref<1x128xf32, #tpu.memory_space<vmem>>, %arg7: memref<2000x128xbf16, #tpu.memory_space<vmem>>, %arg8: memref<2000x128xf32, #tpu.memory_space<vmem>>, %arg9: memref<2000x1xf32, #tpu.memory_space<vmem>>) attributes {dimension_semantics = [#tpu.dimension_semantics<arbitrary>], iteration_bounds = array<i64: 5>, scalar_prefetch = 0 : i64, scratch_operands = 0 : i64, tpu.core_type = #tpu.core_type<tc>, window_params = [{transform_indices = @transform_0, window_bounds = array<i64: 2000, 128>}, {transform_indices = @transform_1, window_bounds = array<i64: 2, 2000, 128>}, {transform_indices = @transform_2, window_bounds = array<i64: 2, 2000, 32>}, {pipeline_mode = #tpu.pipeline_mode<synchronous>, transform_indices = @transform_3, window_bounds = array<i64: 128, 128>}, {pipeline_mode = #tpu.pipeline_mode<synchronous>, transform_indices = @transform_4, window_bounds = array<i64: 128, 128>}, {pipeline_mode = #tpu.pipeline_mode<synchronous>, transform_indices = @transform_5, window_bounds = array<i64: 1, 128>}, {transform_indices = @transform_6, window_bounds = array<i64: 2000, 128>}, {transform_indices = @transform_7, window_bounds = array<i64: 2000, 128>}, {transform_indices = @transform_8, window_bounds = array<i64: 2000, 1>}]} {
    %get3A = arith.constant 0 : index
    %get3A_0 = arith.constant 0 : index
    %get3A_1 = arith.constant 0 : index
    %get3A_2 = vector.load %arg2[%get3A, %get3A_0, %get3A_1] : memref<2x2000x128xbf16, #tpu.memory_space<vmem>>, vector<1x2000x128xbf16>
    %get3A_3 = vector.shape_cast %get3A_2 : vector<1x2000x128xbf16> to vector<2000x128xbf16>
    %convert_element_type3A = arith.extf %get3A_3 : vector<2000x128xbf16> to vector<2000x128xf32>
    %get3A_4 = arith.constant 1 : index
    %get3A_5 = arith.constant 0 : index
    %get3A_6 = arith.constant 0 : index
    %get3A_7 = vector.load %arg2[%get3A_4, %get3A_5, %get3A_6] : memref<2x2000x128xbf16, #tpu.memory_space<vmem>>, vector<1x2000x128xbf16>
    %get3A_8 = vector.shape_cast %get3A_7 : vector<1x2000x128xbf16> to vector<2000x128xbf16>
    %convert_element_type3A_9 = arith.extf %get3A_8 : vector<2000x128xbf16> to vector<2000x128xf32>
    %add3A = arith.addf %convert_element_type3A, %convert_element_type3A_9 : vector<2000x128xf32>
    %get3A_10 = arith.constant 0 : index
    %get3A_11 = arith.constant 0 : index
    %get3A_12 = arith.constant 0 : index
    %get3A_13 = vector.load %arg3[%get3A_10, %get3A_11, %get3A_12] : memref<2x2000x32xbf16, #tpu.memory_space<vmem>>, vector<1x2000x1xbf16>
    %get3A_14 = vector.shape_cast %get3A_13 : vector<1x2000x1xbf16> to vector<2000x1xbf16>
    %convert_element_type3A_15 = arith.extf %get3A_14 : vector<2000x1xbf16> to vector<2000x1xf32>
    %get3A_16 = arith.constant 1 : index
    %get3A_17 = arith.constant 0 : index
    %get3A_18 = arith.constant 0 : index
    %get3A_19 = vector.load %arg3[%get3A_16, %get3A_17, %get3A_18] : memref<2x2000x32xbf16, #tpu.memory_space<vmem>>, vector<1x2000x1xbf16>
    %get3A_20 = vector.shape_cast %get3A_19 : vector<1x2000x1xbf16> to vector<2000x1xbf16>
    %convert_element_type3A_21 = arith.extf %get3A_20 : vector<2000x1xbf16> to vector<2000x1xf32>
    %add3A_22 = arith.addf %convert_element_type3A_15, %convert_element_type3A_21 : vector<2000x1xf32>
    %max3A = arith.constant 1.000000e+00 : f32
    %max3A_23 = vector.broadcast %max3A : f32 to vector<2000x1xf32>
    %max3A_24 = arith.maximumf %add3A_22, %max3A_23 : vector<2000x1xf32>
    %div3A = arith.constant 1.000000e+00 : f32
    %div3A_25 = vector.broadcast %div3A : f32 to vector<2000x1xf32>
    %div3A_26 = arith.divf %div3A_25, %max3A_24 : vector<2000x1xf32>
    %swap3A = arith.constant 0 : index
    %swap3A_27 = arith.constant 0 : index
    %swap3A_28 = vector.load %arg9[%swap3A, %swap3A_27] : memref<2000x1xf32, #tpu.memory_space<vmem>>, vector<2000x1xf32>
    tpu.vector_store %arg9[%swap3A, %swap3A_27], %div3A_26 {strides = array<i32>} : memref<2000x1xf32, #tpu.memory_space<vmem>>, vector<2000x1xf32>,
    %get3A_29 = arith.constant 0 : index
    %get3A_30 = arith.constant 0 : index
    %get3A_31 = vector.load %arg1[%get3A_29, %get3A_30] : memref<2000x128xf32, #tpu.memory_space<vmem>>, vector<2000x128xf32>
    %mul3A = vector.broadcast %div3A_26 : vector<2000x1xf32> to vector<2000x128xf32>
    %mul3A_32 = arith.mulf %add3A, %mul3A : vector<2000x128xf32>
    %add3A_33 = arith.addf %get3A_31, %mul3A_32 : vector<2000x128xf32>
    %get3A_34 = arith.constant 0 : index
    %get3A_35 = arith.constant 0 : index
    %get3A_36 = vector.load %arg6[%get3A_34, %get3A_35] : memref<1x128xf32, #tpu.memory_space<vmem>>, vector<1x128xf32>
    %add3A_37 = vector.broadcast %get3A_36 : vector<1x128xf32> to vector<2000x128xf32>
    %add3A_38 = arith.addf %add3A_33, %add3A_37 : vector<2000x128xf32>
    %max3A_39 = arith.constant 0.000000e+00 : f32
    %max3A_40 = vector.broadcast %max3A_39 : f32 to vector<2000x128xf32>
    %max3A_41 = arith.maximumf %add3A_38, %max3A_40 : vector<2000x128xf32>
    %get3A_42 = arith.constant 0 : index
    %get3A_43 = arith.constant 0 : index
    %get3A_44 = vector.load %arg4[%get3A_42, %get3A_43] : memref<128x128xf32, #tpu.memory_space<vmem>>, vector<128x128xf32>
    %dot_general3A = arith.constant dense<0.000000e+00> : vector<2000x128xf32>
    %dot_general3A_45 = tpu.matmul %max3A_41, %get3A_44, %dot_general3A {dimension_numbers = #tpu.dot_dimension_numbers<[1], [0], [0], [1], [0, 0, 1, 1], [], []>, transpose_lhs_hint = false} : vector<2000x128xf32>, vector<128x128xf32>, vector<2000x128xf32> -> vector<2000x128xf32>
    %convert_element_type3A_46 = arith.truncf %dot_general3A_45 : vector<2000x128xf32> to vector<2000x128xbf16>
    %swap3A_47 = arith.constant 0 : index
    %swap3A_48 = arith.constant 0 : index
    %swap3A_49 = vector.load %arg7[%swap3A_47, %swap3A_48] : memref<2000x128xbf16, #tpu.memory_space<vmem>>, vector<2000x128xbf16>
    tpu.vector_store %arg7[%swap3A_47, %swap3A_48], %convert_element_type3A_46 {strides = array<i32>} : memref<2000x128xbf16, #tpu.memory_space<vmem>>, vector<2000x128xbf16>,
    %get3A_50 = arith.constant 0 : index
    %get3A_51 = arith.constant 0 : index
    %get3A_52 = vector.load %arg5[%get3A_50, %get3A_51] : memref<128x128xf32, #tpu.memory_space<vmem>>, vector<128x128xf32>
    %dot_general3A_53 = arith.constant dense<0.000000e+00> : vector<2000x128xf32>
    %dot_general3A_54 = tpu.matmul %max3A_41, %get3A_52, %dot_general3A_53 {dimension_numbers = #tpu.dot_dimension_numbers<[1], [0], [0], [1], [0, 0, 1, 1], [], []>, transpose_lhs_hint = false} : vector<2000x128xf32>, vector<128x128xf32>, vector<2000x128xf32> -> vector<2000x128xf32>
    %swap3A_55 = arith.constant 0 : index
    %swap3A_56 = arith.constant 0 : index
    %swap3A_57 = vector.load %arg8[%swap3A_55, %swap3A_56] : memref<2000x128xf32, #tpu.memory_space<vmem>>, vector<2000x128xf32>
    tpu.vector_store %arg8[%swap3A_55, %swap3A_56], %dot_general3A_54 {strides = array<i32>} : memref<2000x128xf32, #tpu.memory_space<vmem>>, vector<2000x128xf32>,
    return
  }
  func.func @transform_0(%arg0: i32) -> (i32, i32) {
    %c0_i32 = arith.constant 0 : i32
    %c0_i32_0 = arith.constant 0 : i32
    return %arg0, %c0_i32 : i32, i32
  }
  func.func @transform_1(%arg0: i32) -> (i32, i32, i32) {
    %c0_i32 = arith.constant 0 : i32
    %c0_i32_0 = arith.constant 0 : i32
    %c0_i32_1 = arith.constant 0 : i32
    return %c0_i32, %arg0, %c0_i32_0 : i32, i32, i32
  }
  func.func @transform_2(%arg0: i32) -> (i32, i32, i32) {
    %c0_i32 = arith.constant 0 : i32
    %c0_i32_0 = arith.constant 0 : i32
    %c0_i32_1 = arith.constant 0 : i32
    return %c0_i32, %arg0, %c0_i32_0 : i32, i32, i32
  }
  func.func @transform_3(%arg0: i32) -> (i32, i32) {
    %c0_i32 = arith.constant 0 : i32
    %c0_i32_0 = arith.constant 0 : i32
    %c0_i32_1 = arith.constant 0 : i32
    return %c0_i32, %c0_i32_0 : i32, i32
  }
  func.func @transform_4(%arg0: i32) -> (i32, i32) {
    %c0_i32 = arith.constant 0 : i32
    %c0_i32_0 = arith.constant 0 : i32
    %c0_i32_1 = arith.constant 0 : i32
    return %c0_i32, %c0_i32_0 : i32, i32
  }
  func.func @transform_5(%arg0: i32) -> (i32, i32) {
    %c0_i32 = arith.constant 0 : i32
    %c0_i32_0 = arith.constant 0 : i32
    %c0_i32_1 = arith.constant 0 : i32
    return %c0_i32, %c0_i32_0 : i32, i32
  }
  func.func @transform_6(%arg0: i32) -> (i32, i32) {
    %c0_i32 = arith.constant 0 : i32
    %c0_i32_0 = arith.constant 0 : i32
    return %arg0, %c0_i32 : i32, i32
  }
  func.func @transform_7(%arg0: i32) -> (i32, i32) {
    %c0_i32 = arith.constant 0 : i32
    %c0_i32_0 = arith.constant 0 : i32
    return %arg0, %c0_i32 : i32, i32
  }
  func.func @transform_8(%arg0: i32) -> (i32, i32) {
    %c0_i32 = arith.constant 0 : i32
    %c0_i32_0 = arith.constant 0 : i32
    return %arg0, %c0_i32 : i32, i32
  }
}

module attributes {stable_mosaic.version = 14 : i64} {
  func.func @_tcmid_next_body(%arg0: i32, %arg1: memref<2000x128xf32, #tpu.memory_space<vmem>>, %arg2: memref<2x2000x128xbf16, #tpu.memory_space<vmem>>, %arg3: memref<2000x1xf32, #tpu.memory_space<vmem>>, %arg4: memref<128x128xf32, #tpu.memory_space<vmem>>, %arg5: memref<128x128xf32, #tpu.memory_space<vmem>>, %arg6: memref<1x128xf32, #tpu.memory_space<vmem>>, %arg7: memref<2000x128xbf16, #tpu.memory_space<vmem>>, %arg8: memref<2000x128xf32, #tpu.memory_space<vmem>>) attributes {dimension_semantics = [#tpu.dimension_semantics<arbitrary>], iteration_bounds = array<i64: 5>, scalar_prefetch = 0 : i64, scratch_operands = 0 : i64, tpu.core_type = #tpu.core_type<tc>, window_params = [{transform_indices = @transform_0, window_bounds = array<i64: 2000, 128>}, {transform_indices = @transform_1, window_bounds = array<i64: 2, 2000, 128>}, {transform_indices = @transform_2, window_bounds = array<i64: 2000, 1>}, {pipeline_mode = #tpu.pipeline_mode<synchronous>, transform_indices = @transform_3, window_bounds = array<i64: 128, 128>}, {pipeline_mode = #tpu.pipeline_mode<synchronous>, transform_indices = @transform_4, window_bounds = array<i64: 128, 128>}, {pipeline_mode = #tpu.pipeline_mode<synchronous>, transform_indices = @transform_5, window_bounds = array<i64: 1, 128>}, {transform_indices = @transform_6, window_bounds = array<i64: 2000, 128>}, {transform_indices = @transform_7, window_bounds = array<i64: 2000, 128>}]} {
    %get3A = arith.constant 0 : index
    %get3A_0 = arith.constant 0 : index
    %get3A_1 = arith.constant 0 : index
    %get3A_2 = vector.load %arg2[%get3A, %get3A_0, %get3A_1] : memref<2x2000x128xbf16, #tpu.memory_space<vmem>>, vector<1x2000x128xbf16>
    %get3A_3 = vector.shape_cast %get3A_2 : vector<1x2000x128xbf16> to vector<2000x128xbf16>
    %convert_element_type3A = arith.extf %get3A_3 : vector<2000x128xbf16> to vector<2000x128xf32>
    %get3A_4 = arith.constant 1 : index
    %get3A_5 = arith.constant 0 : index
    %get3A_6 = arith.constant 0 : index
    %get3A_7 = vector.load %arg2[%get3A_4, %get3A_5, %get3A_6] : memref<2x2000x128xbf16, #tpu.memory_space<vmem>>, vector<1x2000x128xbf16>
    %get3A_8 = vector.shape_cast %get3A_7 : vector<1x2000x128xbf16> to vector<2000x128xbf16>
    %convert_element_type3A_9 = arith.extf %get3A_8 : vector<2000x128xbf16> to vector<2000x128xf32>
    %add3A = arith.addf %convert_element_type3A, %convert_element_type3A_9 : vector<2000x128xf32>
    %get3A_10 = arith.constant 0 : index
    %get3A_11 = arith.constant 0 : index
    %get3A_12 = vector.load %arg1[%get3A_10, %get3A_11] : memref<2000x128xf32, #tpu.memory_space<vmem>>, vector<2000x128xf32>
    %get3A_13 = arith.constant 0 : index
    %get3A_14 = arith.constant 0 : index
    %get3A_15 = vector.load %arg3[%get3A_13, %get3A_14] : memref<2000x1xf32, #tpu.memory_space<vmem>>, vector<2000x1xf32>
    %mul3A = vector.broadcast %get3A_15 : vector<2000x1xf32> to vector<2000x128xf32>
    %mul3A_16 = arith.mulf %add3A, %mul3A : vector<2000x128xf32>
    %add3A_17 = arith.addf %get3A_12, %mul3A_16 : vector<2000x128xf32>
    %get3A_18 = arith.constant 0 : index
    %get3A_19 = arith.constant 0 : index
    %get3A_20 = vector.load %arg6[%get3A_18, %get3A_19] : memref<1x128xf32, #tpu.memory_space<vmem>>, vector<1x128xf32>
    %add3A_21 = vector.broadcast %get3A_20 : vector<1x128xf32> to vector<2000x128xf32>
    %add3A_22 = arith.addf %add3A_17, %add3A_21 : vector<2000x128xf32>
    %max3A = arith.constant 0.000000e+00 : f32
    %max3A_23 = vector.broadcast %max3A : f32 to vector<2000x128xf32>
    %max3A_24 = arith.maximumf %add3A_22, %max3A_23 : vector<2000x128xf32>
    %get3A_25 = arith.constant 0 : index
    %get3A_26 = arith.constant 0 : index
    %get3A_27 = vector.load %arg4[%get3A_25, %get3A_26] : memref<128x128xf32, #tpu.memory_space<vmem>>, vector<128x128xf32>
    %dot_general3A = arith.constant dense<0.000000e+00> : vector<2000x128xf32>
    %dot_general3A_28 = tpu.matmul %max3A_24, %get3A_27, %dot_general3A {dimension_numbers = #tpu.dot_dimension_numbers<[1], [0], [0], [1], [0, 0, 1, 1], [], []>, transpose_lhs_hint = false} : vector<2000x128xf32>, vector<128x128xf32>, vector<2000x128xf32> -> vector<2000x128xf32>
    %convert_element_type3A_29 = arith.truncf %dot_general3A_28 : vector<2000x128xf32> to vector<2000x128xbf16>
    %swap3A = arith.constant 0 : index
    %swap3A_30 = arith.constant 0 : index
    %swap3A_31 = vector.load %arg7[%swap3A, %swap3A_30] : memref<2000x128xbf16, #tpu.memory_space<vmem>>, vector<2000x128xbf16>
    tpu.vector_store %arg7[%swap3A, %swap3A_30], %convert_element_type3A_29 {strides = array<i32>} : memref<2000x128xbf16, #tpu.memory_space<vmem>>, vector<2000x128xbf16>,
    %get3A_32 = arith.constant 0 : index
    %get3A_33 = arith.constant 0 : index
    %get3A_34 = vector.load %arg5[%get3A_32, %get3A_33] : memref<128x128xf32, #tpu.memory_space<vmem>>, vector<128x128xf32>
    %dot_general3A_35 = arith.constant dense<0.000000e+00> : vector<2000x128xf32>
    %dot_general3A_36 = tpu.matmul %max3A_24, %get3A_34, %dot_general3A_35 {dimension_numbers = #tpu.dot_dimension_numbers<[1], [0], [0], [1], [0, 0, 1, 1], [], []>, transpose_lhs_hint = false} : vector<2000x128xf32>, vector<128x128xf32>, vector<2000x128xf32> -> vector<2000x128xf32>
    %swap3A_37 = arith.constant 0 : index
    %swap3A_38 = arith.constant 0 : index
    %swap3A_39 = vector.load %arg8[%swap3A_37, %swap3A_38] : memref<2000x128xf32, #tpu.memory_space<vmem>>, vector<2000x128xf32>
    tpu.vector_store %arg8[%swap3A_37, %swap3A_38], %dot_general3A_36 {strides = array<i32>} : memref<2000x128xf32, #tpu.memory_space<vmem>>, vector<2000x128xf32>,
    return
  }
  func.func @transform_0(%arg0: i32) -> (i32, i32) {
    %c0_i32 = arith.constant 0 : i32
    %c0_i32_0 = arith.constant 0 : i32
    return %arg0, %c0_i32 : i32, i32
  }
  func.func @transform_1(%arg0: i32) -> (i32, i32, i32) {
    %c0_i32 = arith.constant 0 : i32
    %c0_i32_0 = arith.constant 0 : i32
    %c0_i32_1 = arith.constant 0 : i32
    return %c0_i32, %arg0, %c0_i32_0 : i32, i32, i32
  }
  func.func @transform_2(%arg0: i32) -> (i32, i32) {
    %c0_i32 = arith.constant 0 : i32
    %c0_i32_0 = arith.constant 0 : i32
    return %arg0, %c0_i32 : i32, i32
  }
  func.func @transform_3(%arg0: i32) -> (i32, i32) {
    %c0_i32 = arith.constant 0 : i32
    %c0_i32_0 = arith.constant 0 : i32
    %c0_i32_1 = arith.constant 0 : i32
    return %c0_i32, %c0_i32_0 : i32, i32
  }
  func.func @transform_4(%arg0: i32) -> (i32, i32) {
    %c0_i32 = arith.constant 0 : i32
    %c0_i32_0 = arith.constant 0 : i32
    %c0_i32_1 = arith.constant 0 : i32
    return %c0_i32, %c0_i32_0 : i32, i32
  }
  func.func @transform_5(%arg0: i32) -> (i32, i32) {
    %c0_i32 = arith.constant 0 : i32
    %c0_i32_0 = arith.constant 0 : i32
    %c0_i32_1 = arith.constant 0 : i32
    return %c0_i32, %c0_i32_0 : i32, i32
  }
  func.func @transform_6(%arg0: i32) -> (i32, i32) {
    %c0_i32 = arith.constant 0 : i32
    %c0_i32_0 = arith.constant 0 : i32
    return %arg0, %c0_i32 : i32, i32
  }
  func.func @transform_7(%arg0: i32) -> (i32, i32) {
    %c0_i32 = arith.constant 0 : i32
    %c0_i32_0 = arith.constant 0 : i32
    return %arg0, %c0_i32 : i32, i32
  }
}

module attributes {stable_mosaic.version = 14 : i64} {
  func.func @_tc_final_body(%arg0: i32, %arg1: memref<2000x128xf32, #tpu.memory_space<vmem>>, %arg2: memref<2x2000x128xbf16, #tpu.memory_space<vmem>>, %arg3: memref<2000x1xf32, #tpu.memory_space<vmem>>, %arg4: memref<1x128xf32, #tpu.memory_space<vmem>>, %arg5: memref<128x128xf32, #tpu.memory_space<vmem>>, %arg6: memref<1x128xf32, #tpu.memory_space<vmem>>, %arg7: memref<128x32xf32, #tpu.memory_space<vmem>>, %arg8: memref<1x32xf32, #tpu.memory_space<vmem>>, %arg9: memref<128x64xf32, #tpu.memory_space<vmem>>, %arg10: memref<1x64xf32, #tpu.memory_space<vmem>>, %arg11: memref<64x64xf32, #tpu.memory_space<vmem>>, %arg12: memref<1x64xf32, #tpu.memory_space<vmem>>, %arg13: memref<1x32xf32, #tpu.memory_space<vmem>>, %arg14: memref<1x64xf32, #tpu.memory_space<vmem>>, %arg15: memref<1x128xf32, #tpu.memory_space<vmem>>) attributes {dimension_semantics = [#tpu.dimension_semantics<arbitrary>], iteration_bounds = array<i64: 5>, scalar_prefetch = 0 : i64, scratch_operands = 1 : i64, tpu.core_type = #tpu.core_type<tc>, window_params = [{transform_indices = @transform_0, window_bounds = array<i64: 2000, 128>}, {transform_indices = @transform_1, window_bounds = array<i64: 2, 2000, 128>}, {transform_indices = @transform_2, window_bounds = array<i64: 2000, 1>}, {pipeline_mode = #tpu.pipeline_mode<synchronous>, transform_indices = @transform_3, window_bounds = array<i64: 1, 128>}, {pipeline_mode = #tpu.pipeline_mode<synchronous>, transform_indices = @transform_4, window_bounds = array<i64: 128, 128>}, {pipeline_mode = #tpu.pipeline_mode<synchronous>, transform_indices = @transform_5, window_bounds = array<i64: 1, 128>}, {pipeline_mode = #tpu.pipeline_mode<synchronous>, transform_indices = @transform_6, window_bounds = array<i64: 128, 32>}, {pipeline_mode = #tpu.pipeline_mode<synchronous>, transform_indices = @transform_7, window_bounds = array<i64: 1, 32>}, {pipeline_mode = #tpu.pipeline_mode<synchronous>, transform_indices = @transform_8, window_bounds = array<i64: 128, 64>}, {pipeline_mode = #tpu.pipeline_mode<synchronous>, transform_indices = @transform_9, window_bounds = array<i64: 1, 64>}, {pipeline_mode = #tpu.pipeline_mode<synchronous>, transform_indices = @transform_10, window_bounds = array<i64: 64, 64>}, {pipeline_mode = #tpu.pipeline_mode<synchronous>, transform_indices = @transform_11, window_bounds = array<i64: 1, 64>}, {pipeline_mode = #tpu.pipeline_mode<synchronous>, transform_indices = @transform_12, window_bounds = array<i64: 1, 32>}, {pipeline_mode = #tpu.pipeline_mode<synchronous>, transform_indices = @transform_13, window_bounds = array<i64: 1, 64>}]} {
    %get3A = arith.constant 0 : index
    %get3A_0 = arith.constant 0 : index
    %get3A_1 = arith.constant 0 : index
    %get3A_2 = vector.load %arg2[%get3A, %get3A_0, %get3A_1] : memref<2x2000x128xbf16, #tpu.memory_space<vmem>>, vector<1x2000x128xbf16>
    %get3A_3 = vector.shape_cast %get3A_2 : vector<1x2000x128xbf16> to vector<2000x128xbf16>
    %convert_element_type3A = arith.extf %get3A_3 : vector<2000x128xbf16> to vector<2000x128xf32>
    %get3A_4 = arith.constant 1 : index
    %get3A_5 = arith.constant 0 : index
    %get3A_6 = arith.constant 0 : index
    %get3A_7 = vector.load %arg2[%get3A_4, %get3A_5, %get3A_6] : memref<2x2000x128xbf16, #tpu.memory_space<vmem>>, vector<1x2000x128xbf16>
    %get3A_8 = vector.shape_cast %get3A_7 : vector<1x2000x128xbf16> to vector<2000x128xbf16>
    %convert_element_type3A_9 = arith.extf %get3A_8 : vector<2000x128xbf16> to vector<2000x128xf32>
    %add3A = arith.addf %convert_element_type3A, %convert_element_type3A_9 : vector<2000x128xf32>
    %get3A_10 = arith.constant 0 : index
    %get3A_11 = arith.constant 0 : index
    %get3A_12 = vector.load %arg1[%get3A_10, %get3A_11] : memref<2000x128xf32, #tpu.memory_space<vmem>>, vector<2000x128xf32>
    %get3A_13 = arith.constant 0 : index
    %get3A_14 = arith.constant 0 : index
    %get3A_15 = vector.load %arg3[%get3A_13, %get3A_14] : memref<2000x1xf32, #tpu.memory_space<vmem>>, vector<2000x1xf32>
    %mul3A = vector.broadcast %get3A_15 : vector<2000x1xf32> to vector<2000x128xf32>
    %mul3A_16 = arith.mulf %add3A, %mul3A : vector<2000x128xf32>
    %add3A_17 = arith.addf %get3A_12, %mul3A_16 : vector<2000x128xf32>
    %get3A_18 = arith.constant 0 : index
    %get3A_19 = arith.constant 0 : index
    %get3A_20 = vector.load %arg4[%get3A_18, %get3A_19] : memref<1x128xf32, #tpu.memory_space<vmem>>, vector<1x128xf32>
    %add3A_21 = vector.broadcast %get3A_20 : vector<1x128xf32> to vector<2000x128xf32>
    %add3A_22 = arith.addf %add3A_17, %add3A_21 : vector<2000x128xf32>
    %max3A = arith.constant 0.000000e+00 : f32
    %max3A_23 = vector.broadcast %max3A : f32 to vector<2000x128xf32>
    %max3A_24 = arith.maximumf %add3A_22, %max3A_23 : vector<2000x128xf32>
    %reduce_sum3A = arith.constant dense<0.000000e+00> : vector<128xf32>
    %reduce_sum3A_25 = vector.multi_reduction <add>, %max3A_24, %reduce_sum3A [0] : vector<2000x128xf32> to vector<128xf32>
    %broadcast_in_dim3A = vector.shape_cast %reduce_sum3A_25 : vector<128xf32> to vector<1x128xf32>
    %eq3A = arith.constant 0 : i32
    %eq3A_26 = arith.cmpi eq, %arg0, %eq3A : i32
    %convert_element_type3A_27 = arith.extui %eq3A_26 : i1 to i32
    %cond3A = arith.constant 0 : i32
    %cond3A_28 = arith.cmpi ne, %convert_element_type3A_27, %cond3A : i32
    scf.if %cond3A_28 {
      %swap3A = arith.constant 0 : index
      %swap3A_38 = arith.constant 0 : index
      %swap3A_39 = vector.load %arg15[%swap3A, %swap3A_38] : memref<1x128xf32, #tpu.memory_space<vmem>>, vector<1x128xf32>
      tpu.vector_store %arg15[%swap3A, %swap3A_38], %broadcast_in_dim3A {strides = array<i32>} : memref<1x128xf32, #tpu.memory_space<vmem>>, vector<1x128xf32>,
    } else {
    }
    %gt3A = arith.constant 0 : i32
    %gt3A_29 = arith.cmpi sgt, %arg0, %gt3A : i32
    %convert_element_type3A_30 = arith.extui %gt3A_29 : i1 to i32
    %cond3A_31 = arith.constant 0 : i32
    %cond3A_32 = arith.cmpi ne, %convert_element_type3A_30, %cond3A_31 : i32
    scf.if %cond3A_32 {
      %get3A_38 = arith.constant 0 : index
      %get3A_39 = arith.constant 0 : index
      %get3A_40 = vector.load %arg15[%get3A_38, %get3A_39] : memref<1x128xf32, #tpu.memory_space<vmem>>, vector<1x128xf32>
      %add3A_41 = arith.addf %get3A_40, %broadcast_in_dim3A : vector<1x128xf32>
      %swap3A = arith.constant 0 : index
      %swap3A_42 = arith.constant 0 : index
      %swap3A_43 = vector.load %arg15[%swap3A, %swap3A_42] : memref<1x128xf32, #tpu.memory_space<vmem>>, vector<1x128xf32>
      tpu.vector_store %arg15[%swap3A, %swap3A_42], %add3A_41 {strides = array<i32>} : memref<1x128xf32, #tpu.memory_space<vmem>>, vector<1x128xf32>,
    } else {
    }
    %eq3A_33 = arith.constant 4 : i32
    %eq3A_34 = arith.cmpi eq, %arg0, %eq3A_33 : i32
    %convert_element_type3A_35 = arith.extui %eq3A_34 : i1 to i32
    %cond3A_36 = arith.constant 0 : i32
    %cond3A_37 = arith.cmpi ne, %convert_element_type3A_35, %cond3A_36 : i32
    scf.if %cond3A_37 {
      %get3A_38 = arith.constant 0 : index
      %get3A_39 = arith.constant 0 : index
      %get3A_40 = vector.load %arg15[%get3A_38, %get3A_39] : memref<1x128xf32, #tpu.memory_space<vmem>>, vector<1x128xf32>
      %mul3A_41 = arith.constant 9.99999974E-5 : f32
      %mul3A_42 = vector.broadcast %mul3A_41 : f32 to vector<1x128xf32>
      %mul3A_43 = arith.mulf %get3A_40, %mul3A_42 : vector<1x128xf32>
      %get3A_44 = arith.constant 0 : index
      %get3A_45 = arith.constant 0 : index
      %get3A_46 = vector.load %arg5[%get3A_44, %get3A_45] : memref<128x128xf32, #tpu.memory_space<vmem>>, vector<128x128xf32>
      %dot_general3A = arith.constant dense<0.000000e+00> : vector<1x128xf32>
      %dot_general3A_47 = tpu.matmul %mul3A_43, %get3A_46, %dot_general3A {dimension_numbers = #tpu.dot_dimension_numbers<[1], [0], [0], [1], [0, 0, 1, 1], [], []>, transpose_lhs_hint = false} : vector<1x128xf32>, vector<128x128xf32>, vector<1x128xf32> -> vector<1x128xf32>
      %get3A_48 = arith.constant 0 : index
      %get3A_49 = arith.constant 0 : index
      %get3A_50 = vector.load %arg6[%get3A_48, %get3A_49] : memref<1x128xf32, #tpu.memory_space<vmem>>, vector<1x128xf32>
      %add3A_51 = arith.addf %dot_general3A_47, %get3A_50 : vector<1x128xf32>
      %max3A_52 = arith.constant 0.000000e+00 : f32
      %max3A_53 = vector.broadcast %max3A_52 : f32 to vector<1x128xf32>
      %max3A_54 = arith.maximumf %add3A_51, %max3A_53 : vector<1x128xf32>
      %get3A_55 = arith.constant 0 : index
      %get3A_56 = arith.constant 0 : index
      %get3A_57 = vector.load %arg7[%get3A_55, %get3A_56] : memref<128x32xf32, #tpu.memory_space<vmem>>, vector<128x32xf32>
      %dot_general3A_58 = arith.constant dense<0.000000e+00> : vector<1x32xf32>
      %dot_general3A_59 = tpu.matmul %max3A_54, %get3A_57, %dot_general3A_58 {dimension_numbers = #tpu.dot_dimension_numbers<[1], [0], [0], [1], [0, 0, 1, 1], [], []>, transpose_lhs_hint = false} : vector<1x128xf32>, vector<128x32xf32>, vector<1x32xf32> -> vector<1x32xf32>
      %get3A_60 = arith.constant 0 : index
      %get3A_61 = arith.constant 0 : index
      %get3A_62 = vector.load %arg8[%get3A_60, %get3A_61] : memref<1x32xf32, #tpu.memory_space<vmem>>, vector<1x32xf32>
      %add3A_63 = arith.addf %dot_general3A_59, %get3A_62 : vector<1x32xf32>
      %swap3A = arith.constant 0 : index
      %swap3A_64 = arith.constant 0 : index
      %swap3A_65 = vector.load %arg13[%swap3A, %swap3A_64] : memref<1x32xf32, #tpu.memory_space<vmem>>, vector<1x32xf32>
      tpu.vector_store %arg13[%swap3A, %swap3A_64], %add3A_63 {strides = array<i32>} : memref<1x32xf32, #tpu.memory_space<vmem>>, vector<1x32xf32>,
      %get3A_66 = arith.constant 0 : index
      %get3A_67 = arith.constant 0 : index
      %get3A_68 = vector.load %arg9[%get3A_66, %get3A_67] : memref<128x64xf32, #tpu.memory_space<vmem>>, vector<128x64xf32>
      %dot_general3A_69 = arith.constant dense<0.000000e+00> : vector<1x64xf32>
      %dot_general3A_70 = tpu.matmul %mul3A_43, %get3A_68, %dot_general3A_69 {dimension_numbers = #tpu.dot_dimension_numbers<[1], [0], [0], [1], [0, 0, 1, 1], [], []>, transpose_lhs_hint = false} : vector<1x128xf32>, vector<128x64xf32>, vector<1x64xf32> -> vector<1x64xf32>
      %get3A_71 = arith.constant 0 : index
      %get3A_72 = arith.constant 0 : index
      %get3A_73 = vector.load %arg10[%get3A_71, %get3A_72] : memref<1x64xf32, #tpu.memory_space<vmem>>, vector<1x64xf32>
      %add3A_74 = arith.addf %dot_general3A_70, %get3A_73 : vector<1x64xf32>
      %max3A_75 = arith.constant 0.000000e+00 : f32
      %max3A_76 = vector.broadcast %max3A_75 : f32 to vector<1x64xf32>
      %max3A_77 = arith.maximumf %add3A_74, %max3A_76 : vector<1x64xf32>
      %get3A_78 = arith.constant 0 : index
      %get3A_79 = arith.constant 0 : index
      %get3A_80 = vector.load %arg11[%get3A_78, %get3A_79] : memref<64x64xf32, #tpu.memory_space<vmem>>, vector<64x64xf32>
      %dot_general3A_81 = arith.constant dense<0.000000e+00> : vector<1x64xf32>
      %dot_general3A_82 = tpu.matmul %max3A_77, %get3A_80, %dot_general3A_81 {dimension_numbers = #tpu.dot_dimension_numbers<[1], [0], [0], [1], [0, 0, 1, 1], [], []>, transpose_lhs_hint = false} : vector<1x64xf32>, vector<64x64xf32>, vector<1x64xf32> -> vector<1x64xf32>
      %get3A_83 = arith.constant 0 : index
      %get3A_84 = arith.constant 0 : index
      %get3A_85 = vector.load %arg12[%get3A_83, %get3A_84] : memref<1x64xf32, #tpu.memory_space<vmem>>, vector<1x64xf32>
      %add3A_86 = arith.addf %dot_general3A_82, %get3A_85 : vector<1x64xf32>
      %mul3A_87 = arith.mulf %add3A_86, %add3A_86 : vector<1x64xf32>
      %reduce_sum3A_88 = arith.constant dense<0.000000e+00> : vector<1xf32>
      %reduce_sum3A_89 = vector.multi_reduction <add>, %mul3A_87, %reduce_sum3A_88 [1] : vector<1x64xf32> to vector<1xf32>
      %broadcast_in_dim3A_90 = vector.shape_cast %reduce_sum3A_89 : vector<1xf32> to vector<1x1xf32>
      %sqrt3A = math.sqrt %broadcast_in_dim3A_90 : vector<1x1xf32>
      %max3A_91 = arith.constant 9.99999996E-13 : f32
      %max3A_92 = vector.broadcast %max3A_91 : f32 to vector<1x1xf32>
      %max3A_93 = arith.maximumf %sqrt3A, %max3A_92 : vector<1x1xf32>
      %div3A = vector.broadcast %max3A_93 : vector<1x1xf32> to vector<1x64xf32>
      %div3A_94 = arith.divf %add3A_86, %div3A : vector<1x64xf32>
      %swap3A_95 = arith.constant 0 : index
      %swap3A_96 = arith.constant 0 : index
      %swap3A_97 = vector.load %arg14[%swap3A_95, %swap3A_96] : memref<1x64xf32, #tpu.memory_space<vmem>>, vector<1x64xf32>
      tpu.vector_store %arg14[%swap3A_95, %swap3A_96], %div3A_94 {strides = array<i32>} : memref<1x64xf32, #tpu.memory_space<vmem>>, vector<1x64xf32>,
    } else {
    }
    return
  }
  func.func @transform_0(%arg0: i32) -> (i32, i32) {
    %c0_i32 = arith.constant 0 : i32
    %c0_i32_0 = arith.constant 0 : i32
    return %arg0, %c0_i32 : i32, i32
  }
  func.func @transform_1(%arg0: i32) -> (i32, i32, i32) {
    %c0_i32 = arith.constant 0 : i32
    %c0_i32_0 = arith.constant 0 : i32
    %c0_i32_1 = arith.constant 0 : i32
    return %c0_i32, %arg0, %c0_i32_0 : i32, i32, i32
  }
  func.func @transform_2(%arg0: i32) -> (i32, i32) {
    %c0_i32 = arith.constant 0 : i32
    %c0_i32_0 = arith.constant 0 : i32
    return %arg0, %c0_i32 : i32, i32
  }
  func.func @transform_3(%arg0: i32) -> (i32, i32) {
    %c0_i32 = arith.constant 0 : i32
    %c0_i32_0 = arith.constant 0 : i32
    %c0_i32_1 = arith.constant 0 : i32
    return %c0_i32, %c0_i32_0 : i32, i32
  }
  func.func @transform_4(%arg0: i32) -> (i32, i32) {
    %c0_i32 = arith.constant 0 : i32
    %c0_i32_0 = arith.constant 0 : i32
    %c0_i32_1 = arith.constant 0 : i32
    return %c0_i32, %c0_i32_0 : i32, i32
  }
  func.func @transform_5(%arg0: i32) -> (i32, i32) {
    %c0_i32 = arith.constant 0 : i32
    %c0_i32_0 = arith.constant 0 : i32
    %c0_i32_1 = arith.constant 0 : i32
    return %c0_i32, %c0_i32_0 : i32, i32
  }
  func.func @transform_6(%arg0: i32) -> (i32, i32) {
    %c0_i32 = arith.constant 0 : i32
    %c0_i32_0 = arith.constant 0 : i32
    %c0_i32_1 = arith.constant 0 : i32
    return %c0_i32, %c0_i32_0 : i32, i32
  }
  func.func @transform_7(%arg0: i32) -> (i32, i32) {
    %c0_i32 = arith.constant 0 : i32
    %c0_i32_0 = arith.constant 0 : i32
    %c0_i32_1 = arith.constant 0 : i32
    return %c0_i32, %c0_i32_0 : i32, i32
  }
  func.func @transform_8(%arg0: i32) -> (i32, i32) {
    %c0_i32 = arith.constant 0 : i32
    %c0_i32_0 = arith.constant 0 : i32
    %c0_i32_1 = arith.constant 0 : i32
    return %c0_i32, %c0_i32_0 : i32, i32
  }
  func.func @transform_9(%arg0: i32) -> (i32, i32) {
    %c0_i32 = arith.constant 0 : i32
    %c0_i32_0 = arith.constant 0 : i32
    %c0_i32_1 = arith.constant 0 : i32
    return %c0_i32, %c0_i32_0 : i32, i32
  }
  func.func @transform_10(%arg0: i32) -> (i32, i32) {
    %c0_i32 = arith.constant 0 : i32
    %c0_i32_0 = arith.constant 0 : i32
    %c0_i32_1 = arith.constant 0 : i32
    return %c0_i32, %c0_i32_0 : i32, i32
  }
  func.func @transform_11(%arg0: i32) -> (i32, i32) {
    %c0_i32 = arith.constant 0 : i32
    %c0_i32_0 = arith.constant 0 : i32
    %c0_i32_1 = arith.constant 0 : i32
    return %c0_i32, %c0_i32_0 : i32, i32
  }
  func.func @transform_12(%arg0: i32) -> (i32, i32) {
    %c0_i32 = arith.constant 0 : i32
    %c0_i32_0 = arith.constant 0 : i32
    %c0_i32_1 = arith.constant 0 : i32
    return %c0_i32, %c0_i32_0 : i32, i32
  }
  func.func @transform_13(%arg0: i32) -> (i32, i32) {
    %c0_i32 = arith.constant 0 : i32
    %c0_i32_0 = arith.constant 0 : i32
    %c0_i32_1 = arith.constant 0 : i32
    return %c0_i32, %c0_i32_0 : i32, i32
  }
}

</mosaic_0001>

<sc_bundles>
// kernel: kernel.12.cloned.1.call-start
scs
__scs_entry_jumppad:
0x0: {  	(pc) =	sbr.rel $0x88, $3  }
0x1: {  	(tag) =	ssettag $0x0;
	lr =	simm.s32 $0x1  }
0x2: {  	[smem:$0x3F8A] =	sst lr;
	_ =	strace $0xD0000000  }
0x3: {  	_ = 	snop  }
0x4: {  	_ = 	snop  }
0x5: {  	_ = 	snop  }
0x6: {  	_ = 	snop  }
0x7: {  	_ = 	snop  }
__scs_overlays_trampoline_lowered:
0x8: {  	[smem:$0x3F99] =	sst s0  }
0x9: {  	[smem:$0x3F9A] =	sst s1  }
0xa: {  	[smem:$0x3F9B] =	sst s2  }
0xb: {  	[smem:$0x3F9C] =	sst s3  }
0xc: {  	[smem:$0x3F9D] =	sst s4  }
0xd: {  	[smem:$0x3F9E] =	sst s5  }
0xe: {  	[smem:$0x3F9F] =	sst s6  }
0xf: {  	[smem:$0x3FA0] =	sst s7  }
0x10: {  	[smem:$0x3FA1] =	sst s8  }
0x11: {  	[smem:$0x3FA2] =	sst s9;
	s0 =	simm.s32 @!p0 $0x0  }
0x12: {  	s1 =	sld [smem:$0x3F88];
	s0 =	simm.s32 @p0 $0x1  }
0x13: {  	[smem:$0x3FA3] =	sst s0;
	s0 =	simm.s32 @!p1 $0x0  }
0x14: {  	s2 =	sld [smem:$0x3F87];
	s0 =	simm.s32 @p1 $0x1  }
0x15: {  	[smem:$0x3FA4] =	sst s0;
	s0 =	simm.s32 @!p2 $0x0  }
0x16: {  	s3 =	sld [smem:$0x3FDB];
	s0 =	simm.s32 @p2 $0x1  }
0x17: {  	s4 =	simm.s32 $0x1BF5;
	[smem:$0x3FA6] =	sst s0  }
0x18: {  	s0 =	sld [smem:$0x3F89];
	_ =	swait.ge [sflag:s4], $0x0  }
0x19: {  	s7 =	sld [smem:$0x3F8A]  }
0x1a: {  	s8 =	sadd.s32 $0xFFFFE003, lr  }
0x1b: {  	s9 =	sadd.s32 $0xFFFFFEF7, lr;
	s5 =	simm.s32 $0xFFFFFFFF;
	p2 =	slt.u32 s8, $0xFFFFF086  }
0x1c: {  	p1 =	slt.u32 s9, $0xF7A;
	s5 =	simm.s32 @!p2 $0x0  }
0x1d: {  	s5 =	simm.s32 @p1 $0x1;
	p0 =	seq.s32 s7, s2  }
0x1e: {  	s7 =	smul.u32 @!p0 $0xF7A, s2;
	p2 =	seq.s32 @!p0 s5, $0x0  }
0x1f: {  	s9 =	smul.u32 $0xF7A, s1;
	s8 =	simm.s32 @!p0 $0x1BF5;
	p2 =	por !p2, p0  }
0x20: {  	[sflag:s8] =	ssyncset.s32 @!p0 $0xFFFFF086;
	s6 =	sadd.s32 @!p0 s3, s7;
	s7 =	simm.s32 @!p0 $0x108  }
0x21: {  	s3 =	sadd.s32 s3, s9;
	s6 =	sadd.s32 @!p0 $0x88, s6;
	s7 =	simm.s32 @p2 $0x1082  }
0x22: {  	[simem:s7], [sflag:s8] =	dma.local @!p0 [hbm:s6], $0xF7A  }
0x23: {  	s9 =	sor.u32 $0xD0000000, s2;
	s6 =	simm.s32 $0x108;
	_ =	swait.ge @!p0 [sflag:s8], $0x0  }
0x24: {  	s3 =	sadd.s32 $0x88, s3;
	s6 =	simm.s32 @!p1 $0x1082;
	[sflag:s4] =	ssyncset.s32 $0xFFFFF086  }
0x25: {  	[simem:s6], [sflag:s4] =	dma.local [hbm:s3], $0xF7A  }
0x26: {  	[smem:$0x3F8A] =	sst s1;
	(tag) =	ssettag s2;
	_ =	strace s9  }
0x27: {  	s1 =	sld [smem:$0x3F9A]  }
0x28: {  	s2 =	sld [smem:$0x3F9B]  }
0x29: {  	s4 =	sld [smem:$0x3F9D]  }
0x2a: {  	p0 =	seq.s32 s5, $0x0;
	s5 =	sld [smem:$0x3F9E]  }
0x2b: {  	s6 =	sld [smem:$0x3F9F]  }
0x2c: {  	s7 =	sld [smem:$0x3FA0]  }
0x2d: {  	s3 =	simm.s32 $0x108;
	s8 =	sld [smem:$0x3FA1]  }
0x2e: {  	s3 =	simm.s32 @!p0 $0x1082;
	s9 =	sld [smem:$0x3FA2]  }
0x2f: {  	lr =	sadd.s32 s0, s3;
	s0 =	sld [smem:$0x3F99]  }
0x30: {  	s3 =	sld [smem:$0x3F9C]  }
0x31: {  	[smem:$0x3FA5] =	sst s10  }
0x32: {  	s10 =	sld [smem:$0x3FA3];
	_ =	sdelay $0x3  }
0x33: {  	p0 =	seq.s32 s10, $0x1;
	s10 =	sld [smem:$0x3FA5];
	_ =	sdelay $0x3  }
0x34: {  	[smem:$0x3FA5] =	sst s10  }
0x35: {  	s10 =	sld [smem:$0x3FA4];
	_ =	sdelay $0x3  }
0x36: {  	p1 =	seq.s32 s10, $0x1;
	s10 =	sld [smem:$0x3FA5];
	_ =	sdelay $0x3  }
0x37: {  	[smem:$0x3FA5] =	sst s10  }
0x38: {  	s10 =	sld [smem:$0x3FA6]  }
0x39: {  	_ = 	snop;
	(pc) =	sbr.ind lr, $3  }
0x3a: {  	_ = 	snop  }
0x3b: {  	_ = 	snop  }
0x3c: {  	p2 =	seq.s32 s10, $0x1;
	s10 =	sld [smem:$0x3FA5]  }
0x3d: {  	_ =	shalt  }
0x3e: {  	_ =	shalt  }
0x3f: {  	_ =	shalt  }
0x40: {  	_ =	shalt  }
0x41: {  	_ =	shalt  }
0x42: {  	_ =	shalt  }
0x43: {  	_ =	shalt  }
0x44: {  	_ =	shalt  }
0x45: {  	_ =	shalt  }
0x46: {  	_ =	shalt  }
0x47: {  	_ =	shalt  }
0x48: {  	_ =	shalt  }
0x49: {  	_ =	shalt  }
0x4a: {  	_ =	shalt  }
0x4b: {  	_ =	shalt  }
0x4c: {  	_ =	shalt  }
0x4d: {  	_ =	shalt  }
0x4e: {  	_ =	shalt  }
0x4f: {  	_ =	shalt  }
0x50: {  	_ =	shalt  }
0x51: {  	_ =	shalt  }
0x52: {  	_ =	shalt  }
0x53: {  	_ =	shalt  }
0x54: {  	_ =	shalt  }
0x55: {  	_ =	shalt  }
0x56: {  	_ =	shalt  }
0x57: {  	_ =	shalt  }
0x58: {  	_ =	shalt  }
0x59: {  	_ =	shalt  }
0x5a: {  	_ =	shalt  }
0x5b: {  	_ =	shalt  }
0x5c: {  	_ =	shalt  }
0x5d: {  	_ =	shalt  }
0x5e: {  	_ =	shalt  }
0x5f: {  	_ =	shalt  }
0x60: {  	_ =	shalt  }
0x61: {  	_ =	shalt  }
0x62: {  	_ =	shalt  }
0x63: {  	_ =	shalt  }
0x64: {  	_ =	shalt  }
0x65: {  	_ =	shalt  }
0x66: {  	_ =	shalt  }
0x67: {  	_ =	shalt  }
0x68: {  	_ =	shalt  }
0x69: {  	_ =	shalt  }
0x6a: {  	_ =	shalt  }
0x6b: {  	_ =	shalt  }
0x6c: {  	_ =	shalt  }
0x6d: {  	_ =	shalt  }
0x6e: {  	_ =	shalt  }
0x6f: {  	_ =	shalt  }
0x70: {  	_ =	shalt  }
0x71: {  	_ =	shalt  }
0x72: {  	_ =	shalt  }
0x73: {  	_ =	shalt  }
0x74: {  	_ =	shalt  }
0x75: {  	_ =	shalt  }
0x76: {  	_ =	shalt  }
0x77: {  	_ =	shalt  }
0x78: {  	_ =	shalt  }
0x79: {  	_ =	shalt  }
0x7a: {  	_ =	shalt  }
0x7b: {  	_ =	shalt  }
0x7c: {  	_ =	shalt  }
0x7d: {  	_ =	shalt  }
0x7e: {  	_ =	shalt  }
0x7f: {  	_ =	shalt  }
0x80: {  	_ =	shalt  }
0x81: {  	_ =	shalt  }
0x82: {  	_ =	shalt  }
0x83: {  	_ =	shalt  }
0x84: {  	_ =	shalt  }
0x85: {  	_ =	shalt  }
0x86: {  	_ =	shalt  }
0x87: {  	_ =	shalt  }
.Lfunc_end0:
.L_simem_size_0:
called_computation.1_lowered:
.L_overlay_start_0:
0x88: {  	s2 =	sld [smem:$0x3FD9]  }
0x89: {  	s3 =	sld [smem:$0x3FFE];
	_ =	sdelay $0x1  }
0x8a: {  	s1 =	srdreg.scid  }
0x8b: {  	s0 =	sand.u32 $0x1, s1  }
0x8c: {  	s16 =	sshll.u32 s0, $0xA;
	s2 =	sadd.s32 s3, s2  }
0x8d: {  	s2 =	sadd.s32 s2, s16  }
0x8e: {  	[smem:$0x3FB1] =	sst s2  }
0x8f: {  	_ = 	snop  }
0x90: {  	(tm) =	ssettm $0x1  }
0x91: {  	s17 =	sld [smem:$0x3FFB];
	_ =	sdelay $0x3  }
0x92: {  	_ =	strace s17  }
0x93: {  	s2 =	sld [smem:$0x3FFC];
	_ =	sdelay $0x3  }
0x94: {  	_ =	strace s2  }
0x95: {  	s2 =	sld [smem:$0x3FFD];
	_ =	sdelay $0x3  }
0x96: {  	_ =	strace s2  }
0x97: {  	_ =	strace $0x8FFFFFFF  }
0x98: {  	s18 =	sld [smem:$0x3FDB];
	_ =	sdelay $0x1  }
0x99: {  	s19 =	simm.s32 $_scs_section_size  }
0x9a: {  	s4 =	simm.s32 $_size__tile_overlayer_lowered;
	s5 =	simm.s32 $_tile_overlayer_lowered  }
0x9b: {  	s22 =	simm.s32 $0x1BFF;
	s21 =	sshll.u32 s5, $0x1;
	s2 =	sadd.s32 s19, s18  }
0x9c: {  	s6 =	simm.s32 $0x0;
	s20 =	sshll.u32 s4, $0x1;
	s4 =	sadd.s32 s21, s2  }
0x9d: {  	[timem:s6], [sflag:s22] =	dma.local [hbm:s4], s20  }
0x9e: {  	_ =	swait.ge [sflag:s22], s20  }
0x9f: {  	s3 =	ssub.s32 $0x0, s20;
	[sflag:s22] =	ssyncset.done $0x0  }
0xa0: {  	[sflag:s22] =	ssyncadd.s32 s3;
	_ =	sdelay $0x1  }
0xa1: {  	s23 =	simm.s32 $0x1B8B  }
0xa2: {  	_ =	swait.ge [sflag:s23], $0x1  }
0xa3: {  	[sflag:s23] =	ssyncset.done $0x0  }
0xa4: {  	s25 =	simm.s32 $0x1B8E;
	s24 =	sld [smem:$0x3FFE];
	[sflag:s23] =	ssyncadd.s32 $0xFFFFFFFF  }
0xa5: {  	s26 =	simm.s32 $execute0_lowered;
	[smem:$0x3FD2] =	sst s25  }
0xa6: {  	s4 =	sshll.u32 s26, $0x1;
	_ =	strace $0x80000049;
	[dreg:$0x1] =	wrdreg $0xFFFFFFFF  }
0xa7: {  	s28 =	simm.s32 $_size_execute0_lowered;
	s2 =	sadd.s32 s2, s4;
	[dreg:$0x0] =	wrdreg $0x0  }
0xa8: {  	s4 =	sshll.u32 s28, $0x1;
	[dreg:$0x2] =	wrdreg s2  }
0xa9: {  	[dreg:$0x3] =	wrdreg s4  }
0xaa: {  	[dreg:$0x4] =	wrdreg $0xC0  }
0xab: {  	_ =	task [dreg:s6], $0x5FFFF  }
0xac: {  	[dreg:$0x1] =	wrdreg $0xFFFFFFFF  }
0xad: {  	[dreg:$0x0] =	wrdreg $0x60  }
0xae: {  	[dreg:$0x2] =	wrdreg s24  }
0xaf: {  	[dreg:$0x3] =	wrdreg $0x90000  }
0xb0: {  	[dreg:$0x4] =	wrdreg $0x12C400  }
0xb1: {  	[dreg:$0x5] =	wrdreg $0x9  }
0xb2: {  	_ =	task.clear_ibuf [dreg:s6], $0x6FFFF;
	_ =	strace $0x90000049  }
0xb3: {  	s29 =	simm.s32 $0x9;
	_ =	strace $0x8000004B  }
0xb4: {  	_ =	swait.ge [sflag:s29], $0x1  }
0xb5: {  	[sflag:s29] =	ssyncadd.s32 $0xFFFFFFFF  }
0xb6: {  	_ =	strace $0x9000004B  }
0xb7: {  	_ =	sfence  }
0xb8: {  	s30 =	sld [smem:$0x0];
	_ =	sdelay $0x2  }
0xb9: {  	s31 =	sshll.u32 s1, $0xD;
	s1 =	sshrl.u32 s1, $0x2  }
0xba: {  	s3 =	sand.u32 $0x4000, s31;
	s1 =	sadd.s32 s1, s30  }
0xbb: {  	s0 =	sor.u32 s3, s0;
	s1 =	sshll.u32 s1, $0x11  }
0xbc: {  	s0 =	sor.u32 s1, s0  }
0xbd: {  	s0 =	sadd.s32 $0x8F2B, s0  }
0xbe: {  	[sflag:s0] =	ssyncadd.remote.s32 $0x1  }
0xbf: {  	_ =	sfence.sel $0xFFFF  }
0xc0: {  	[dreg:$0x0] =	wrdreg $0xFFFFFFFF;
	(pc) =	sbr.abs _section_cstart, $3  }
0xc1: {  	[dreg:$0x1] =	wrdreg $0xFFFFFFFF  }
0xc2: {  	_ =	task.clear_ibuf [dreg:s6], $0x2FFFF;
	_ =	strace $0x9FFFFFFF  }
0xc3: {  	(tm) =	ssettm $0x7FFFFFFF  }
tec
execute0_lowered:
.L_overlay_start_1:
0x0: {  	(tag) =	ssettag $0x1  }
0x1: {  	s7 =	rddreg [dreg:$0x0]  }
0x2: {  	s2 =	rddreg [dreg:$0x1]  }
0x3: {  	s0 =	srdreg.scid;
	s3 =	rddreg [dreg:$0x2];
	s4 =	simm.s32 $0x0  }
0x4: {  	s17 =	simm.s32 $0x5000;
	s18 =	simm.s32 $0x1;
	s19 =	simm.s32 $0x7000  }
0x5: {  	s20 =	simm.s32 $0x2;
	s6 =	sand.u32 $0x1, s0;
	s0 =	stileid.u32  }
0x6: {  	s21 =	simm.s32 $0x100;
	s22 =	simm.s32 $0x2880;
	s8 =	smul.u32 $0x13880, s0  }
0x7: {  	s23 =	simm.s32 $0x0;
	[smem:$0x7FF] =	sst s4;
	s9 =	smul.u32 $0x1390, s0  }
0x8: {  	s1 =	sshll.u32 s6, $0x4;
	s11 =	smul.u32 $0x13900, s6;
	s6 =	ssub.s32 $0x2, s6  }
0x9: {  	s13 =	smul.u32 $0x27200, s0;
	s30 =	sshll.u32 s0, $0x6;
	s1 =	sor.u32 s0, s1  }
0xa: {  	s29 =	sshrl.u32 s6, $0x1;
	s5 =	smul.u32 $0x500, s1;
	s1 =	rddreg [dreg:$0x3]  }
0xb: {  	s10 =	sshrl.u32 s8, $0x4;
	_ =	strace $0x8000004A;
	s9 =	sadd.s32 s9, s11  }
0xc: {  	s8 =	sshrl.u32 s8, $0x1;
	s11 =	ssub.s32 s6, s29;
	s31 =	sshrl.u32 s13, $0x2  }
0xd: {  	s13 =	simm.s32 $0x3;
	s10 =	sadd.s32 s10, s7;
	s14 =	sadd.s32 s9, s7  }
.Ltmp0:
0xe: {  	s15 =	sadd.s32 s8, s2;
	s16 =	sadd.s32 s31, s3;
	(pc) =	sbr.rel .LBB2_1-.Ltmp0, $4  }
0xf: {  	s11 =	smax.u32 s11, $0x1;
	s12 =	sadd.s32 s5, s7;
	s5 =	sadd.s32 $0x4200, s7  }
0x10: {  	s6 =	sadd.s32 $0x5600, s10;
	s7 =	sor.u32 $0x1C03, s30;
	s10 =	sadd.s32 $0x2D800, s14  }
0x11: {  	s14 =	sshrl.u32 s16, $0x3;
	s16 =	simm.s32 $0x80;
	s8 =	sadd.s32 $0x23800, s12  }
0x12: {  	s9 =	sadd.s32 $0x19800, s12;
	s12 =	sshrl.u32 s15, $0x3;
	s15 =	simm.s32 $0x2800  }
.LBB2_4:
0x13: {  	[spmem:s3] =	stream.indirect.scatter.add.bf16 [tilespmem:s19], [sflag:$0x2], $0x40, s26, s16, $0xb8;
	[tilespmem:$0x1C8C0] =	vst v63  }
0x14: {  	_ =	swait.ge [sflag:s20], $0x2000  }
0x15: {  	s23 =	sadd.s32 $0x1, s23;
	[sflag:s20] =	ssyncset.done $0x0  }
0x16: {  	p0 =	sne.s32 s23, s11;
	[sflag:s20] =	ssyncadd.s32 $0xFFFFE000  }
.Ltmp1:
0x17: {  	[bflag:$0x0] =	sbarrier.arrive $0xFFFF;
	(pc) =	sbr.rel @!p0 .LBB2_5-.Ltmp1, $4  }
0x18: {  	[hbm:s10], [sflag:s7] =	dma.local [spmem:s14], $0x1390  }
0x19: {  	_ =	swait.ge [sflag:s13], $0x1390  }
0x1a: {  	[sflag:s13] =	ssyncset.done $0x0  }
0x1b: {  	[sflag:s13] =	ssyncadd.s32 $0xFFFFEC70  }
.LBB2_1:
0x1c: {  	[spmem:s12], [sflag:s7] =	dma.local [hbm:s6], $0x1388  }
0x1d: {  	_ =	swait.ge [sflag:s13], $0x1388  }
0x1e: {  	[sflag:s13] =	ssyncset.done $0x0  }
0x1f: {  	[sflag:s13] =	ssyncadd.s32 $0xFFFFEC78  }
0x20: {  	[spmem:s14], [sflag:s7] =	dma.local [hbm:s5], $0x1390  }
0x21: {  	_ =	swait.ge [sflag:s13], $0x1390  }
0x22: {  	[sflag:s13] =	ssyncset.done $0x0  }
0x23: {  	[sflag:s13] =	ssyncadd.s32 $0xFFFFEC70  }
0x24: {  	[bflag:$0x0] =	sbarrier.arrive $0xFFFF  }
0x25: {  	[tilespmem:s4], [sflag:$0x3] =	stream.linear.gather [hbm4b:s8+s4], $0x2800, $0x38;
	[tilespmem:$0x1C8C0] =	vst v63  }
0x26: {  	_ =	swait.ge [sflag:s13], $0x2800  }
0x27: {  	[sflag:s13] =	ssyncset.done $0x0  }
0x28: {  	[sflag:s13] =	ssyncadd.s32 $0xFFFFD800  }
0x29: {  	[tilespmem:s15], [sflag:$0x3] =	stream.linear.gather [hbm4b:s9+s4], $0x2800, $0x38;
	[tilespmem:$0x1C8C0] =	vst v63  }
0x2a: {  	_ =	swait.ge [sflag:s13], $0x2800  }
0x2b: {  	[sflag:s13] =	ssyncset.done $0x0  }
0x2c: {  	[sflag:s13] =	ssyncadd.s32 $0xFFFFD800  }
0x2d: {  	[tilespmem:s17], [sflag:$0x1] =	stream.indirect.gather [spmem:s2], $0x40, s4, s16, $0xb8;
	[tilespmem:$0x1C8C0] =	vst v63  }
0x2e: {  	_ =	swait.ge [sflag:s18], $0x2000  }
0x2f: {  	[sflag:s18] =	ssyncset.done $0x0  }
0x30: {  	[sflag:s18] =	ssyncadd.s32 $0xFFFFE000  }
0x31: {  	[tilespmem:s19], [sflag:$0x1] =	stream.indirect.gather [spmem:s2], $0x40, s16, s16, $0xb8;
	[tilespmem:$0x1C8C0] =	vst v63  }
0x32: {  	_ = 	snop  }
0x33: {  	[spmem:s3] =	stream.indirect.scatter.add.bf16 [tilespmem:s17], [sflag:$0x2], $0x40, s15, s16, $0xb8;
	[tilespmem:$0x1C8C0] =	vst v63  }
0x34: {  	_ =	swait.ge [sflag:s18], $0x2000  }
0x35: {  	[sflag:s18] =	ssyncset.done $0x0  }
0x36: {  	[sflag:s18] =	ssyncadd.s32 $0xFFFFE000  }
0x37: {  	_ =	swait.ge [sflag:s20], $0x2000  }
0x38: {  	[sflag:s20] =	ssyncset.done $0x0  }
0x39: {  	[sflag:s20] =	ssyncadd.s32 $0xFFFFE000  }
0x3a: {  	[tilespmem:s17], [sflag:$0x1] =	stream.indirect.gather [spmem:s2], $0x40, s21, s16, $0xb8;
	[tilespmem:$0x1C8C0] =	vst v63  }
0x3b: {  	s24 =	simm.s32 $0xFFFF6800  }
0x3c: {  	[spmem:s3] =	stream.indirect.scatter.add.bf16 [tilespmem:s19], [sflag:$0x2], $0x40, s22, s16, $0xb8;
	[tilespmem:$0x1C8C0] =	vst v63  }
.LBB2_2:
0x3d: {  	_ =	swait.ge [sflag:s18], $0x2000  }
0x3e: {  	[sflag:s18] =	ssyncset.done $0x0  }
0x3f: {  	[sflag:s18] =	ssyncadd.s32 $0xFFFFE000  }
0x40: {  	_ =	swait.ge [sflag:s20], $0x2000  }
0x41: {  	s25 =	sshra.s32 s24, $0x2;
	[sflag:s20] =	ssyncset.done $0x0  }
0x42: {  	s26 =	sadd.s32 $0x2780, s25;
	[sflag:s20] =	ssyncadd.s32 $0xFFFFE000  }
0x43: {  	[tilespmem:s19], [sflag:$0x1] =	stream.indirect.gather [spmem:s2], $0x40, s26, s16, $0xb8;
	[tilespmem:$0x1C8C0] =	vst v63  }
0x44: {  	s31 =	sadd.s32 $0x4F00, s25  }
0x45: {  	[spmem:s3] =	stream.indirect.scatter.add.bf16 [tilespmem:s17], [sflag:$0x2], $0x40, s31, s16, $0xb8;
	[tilespmem:$0x1C8C0] =	vst v63  }
0x46: {  	p0 =	seq.s32 s24, $0x0;
	_ =	swait.ge [sflag:s18], $0x2000  }
.Ltmp2:
0x47: {  	[sflag:s18] =	ssyncset.done $0x0;
	(pc) =	sbr.rel @p0 .LBB2_4-.Ltmp2, $4  }
0x48: {  	[sflag:s18] =	ssyncadd.s32 $0xFFFFE000  }
0x49: {  	_ =	swait.ge [sflag:s20], $0x2000  }
0x4a: {  	[sflag:s20] =	ssyncset.done $0x0  }
0x4b: {  	s26 =	sadd.s32 $0x4F80, s25;
	[sflag:s20] =	ssyncadd.s32 $0xFFFFE000  }
.Ltmp3:
0x4c: {  	(pc) =	sbr.rel .LBB2_2-.Ltmp3, $4  }
0x4d: {  	s25 =	sadd.s32 $0x2800, s25  }
0x4e: {  	[tilespmem:s17], [sflag:$0x1] =	stream.indirect.gather [spmem:s2], $0x40, s25, s16, $0xb8;
	[tilespmem:$0x1C8C0] =	vst v63  }
0x4f: {  	s24 =	sadd.s32 $0x400, s24  }
0x50: {  	[spmem:s3] =	stream.indirect.scatter.add.bf16 [tilespmem:s19], [sflag:$0x2], $0x40, s26, s16, $0xb8;
	[tilespmem:$0x1C8C0] =	vst v63  }
.LBB2_5:
0x51: {  	_ =	sfence.sel $0x180000  }
0x52: {  	[bflag:$0x0] =	sbarrier.arrive $0xFFFF  }
0x53: {  	p0 =	sne.s32 s0, $0x0;
	_ =	strace $0x9000004A  }
0x54: {  	s0 =	sadd.s32 @!p0 $0x100000, s1;
	[bflag:$0x2] =	sbarrier.arrive $0xFFFF  }
0x55: {  	[sflag:s0] =	ssyncadd.tile.s32 @!p0 $0x1;
	_ =	shalt  }
.Lfunc_end2:
_tile_overlayer_lowered:
.L_overlay_start_2:
0x56: {  	(tag) =	ssettag $0x2  }
0x57: {  	s0 =	rddreg [dreg:$0x0];
	s2 =	stileid.u32  }
0x58: {  	s1 =	rddreg [dreg:$0x1];
	p0 =	sne.s32 s2, $0x0  }
0x59: {  	s3 =	rddreg [dreg:$0x2];
	[bflag:$0x3] =	sbarrier.arrive $0xFFFF;
	s2 =	simm.s32 @!p0 $0x1C03  }
0x5a: {  	[timem:s3], [sflag:s2] =	dma.local @!p0 [hbm:s0], s1  }
0x5b: {  	s0 =	simm.s32 @!p0 $0x3  }
0x5c: {  	_ =	swait.ge @!p0 [sflag:s0], s1  }
0x5d: {  	s1 =	ssub.s32 @!p0 $0x0, s1;
	[sflag:s0] =	ssyncset.done @!p0 $0x0  }
0x5e: {  	[sflag:s0] =	ssyncadd.s32 @!p0 s1  }
0x5f: {  	[bflag:$0x3] =	sbarrier.arrive $0xFFFF  }
0x60: {  	_ =	shalt  }

// kernel: kernel.15.cloned.1.call-start
scs
__scs_entry_jumppad:
0x0: {  	(pc) =	sbr.rel $0x88, $3  }
0x1: {  	(tag) =	ssettag $0x0;
	lr =	simm.s32 $0x1  }
0x2: {  	[smem:$0x3F8A] =	sst lr;
	_ =	strace $0xD0000000  }
0x3: {  	_ = 	snop  }
0x4: {  	_ = 	snop  }
0x5: {  	_ = 	snop  }
0x6: {  	_ = 	snop  }
0x7: {  	_ = 	snop  }
__scs_overlays_trampoline_lowered:
0x8: {  	[smem:$0x3F99] =	sst s0  }
0x9: {  	[smem:$0x3F9A] =	sst s1  }
0xa: {  	[smem:$0x3F9B] =	sst s2  }
0xb: {  	[smem:$0x3F9C] =	sst s3  }
0xc: {  	[smem:$0x3F9D] =	sst s4  }
0xd: {  	[smem:$0x3F9E] =	sst s5  }
0xe: {  	[smem:$0x3F9F] =	sst s6  }
0xf: {  	[smem:$0x3FA0] =	sst s7  }
0x10: {  	[smem:$0x3FA1] =	sst s8  }
0x11: {  	[smem:$0x3FA2] =	sst s9;
	s0 =	simm.s32 @!p0 $0x0  }
0x12: {  	s1 =	sld [smem:$0x3F88];
	s0 =	simm.s32 @p0 $0x1  }
0x13: {  	[smem:$0x3FA3] =	sst s0;
	s0 =	simm.s32 @!p1 $0x0  }
0x14: {  	s2 =	sld [smem:$0x3F87];
	s0 =	simm.s32 @p1 $0x1  }
0x15: {  	[smem:$0x3FA4] =	sst s0;
	s0 =	simm.s32 @!p2 $0x0  }
0x16: {  	s3 =	sld [smem:$0x3FDB];
	s0 =	simm.s32 @p2 $0x1  }
0x17: {  	s4 =	simm.s32 $0x1BF5;
	[smem:$0x3FA6] =	sst s0  }
0x18: {  	s0 =	sld [smem:$0x3F89];
	_ =	swait.ge [sflag:s4], $0x0  }
0x19: {  	s7 =	sld [smem:$0x3F8A]  }
0x1a: {  	s8 =	sadd.s32 $0xFFFFE003, lr  }
0x1b: {  	s9 =	sadd.s32 $0xFFFFFEF7, lr;
	s5 =	simm.s32 $0xFFFFFFFF;
	p2 =	slt.u32 s8, $0xFFFFF086  }
0x1c: {  	p1 =	slt.u32 s9, $0xF7A;
	s5 =	simm.s32 @!p2 $0x0  }
0x1d: {  	s5 =	simm.s32 @p1 $0x1;
	p0 =	seq.s32 s7, s2  }
0x1e: {  	s7 =	smul.u32 @!p0 $0xF7A, s2;
	p2 =	seq.s32 @!p0 s5, $0x0  }
0x1f: {  	s9 =	smul.u32 $0xF7A, s1;
	s8 =	simm.s32 @!p0 $0x1BF5;
	p2 =	por !p2, p0  }
0x20: {  	[sflag:s8] =	ssyncset.s32 @!p0 $0xFFFFF086;
	s6 =	sadd.s32 @!p0 s3, s7;
	s7 =	simm.s32 @!p0 $0x108  }
0x21: {  	s3 =	sadd.s32 s3, s9;
	s6 =	sadd.s32 @!p0 $0x88, s6;
	s7 =	simm.s32 @p2 $0x1082  }
0x22: {  	[simem:s7], [sflag:s8] =	dma.local @!p0 [hbm:s6], $0xF7A  }
0x23: {  	s9 =	sor.u32 $0xD0000000, s2;
	s6 =	simm.s32 $0x108;
	_ =	swait.ge @!p0 [sflag:s8], $0x0  }
0x24: {  	s3 =	sadd.s32 $0x88, s3;
	s6 =	simm.s32 @!p1 $0x1082;
	[sflag:s4] =	ssyncset.s32 $0xFFFFF086  }
0x25: {  	[simem:s6], [sflag:s4] =	dma.local [hbm:s3], $0xF7A  }
0x26: {  	[smem:$0x3F8A] =	sst s1;
	(tag) =	ssettag s2;
	_ =	strace s9  }
0x27: {  	s1 =	sld [smem:$0x3F9A]  }
0x28: {  	s2 =	sld [smem:$0x3F9B]  }
0x29: {  	s4 =	sld [smem:$0x3F9D]  }
0x2a: {  	p0 =	seq.s32 s5, $0x0;
	s5 =	sld [smem:$0x3F9E]  }
0x2b: {  	s6 =	sld [smem:$0x3F9F]  }
0x2c: {  	s7 =	sld [smem:$0x3FA0]  }
0x2d: {  	s3 =	simm.s32 $0x108;
	s8 =	sld [smem:$0x3FA1]  }
0x2e: {  	s3 =	simm.s32 @!p0 $0x1082;
	s9 =	sld [smem:$0x3FA2]  }
0x2f: {  	lr =	sadd.s32 s0, s3;
	s0 =	sld [smem:$0x3F99]  }
0x30: {  	s3 =	sld [smem:$0x3F9C]  }
0x31: {  	[smem:$0x3FA5] =	sst s10  }
0x32: {  	s10 =	sld [smem:$0x3FA3];
	_ =	sdelay $0x3  }
0x33: {  	p0 =	seq.s32 s10, $0x1;
	s10 =	sld [smem:$0x3FA5];
	_ =	sdelay $0x3  }
0x34: {  	[smem:$0x3FA5] =	sst s10  }
0x35: {  	s10 =	sld [smem:$0x3FA4];
	_ =	sdelay $0x3  }
0x36: {  	p1 =	seq.s32 s10, $0x1;
	s10 =	sld [smem:$0x3FA5];
	_ =	sdelay $0x3  }
0x37: {  	[smem:$0x3FA5] =	sst s10  }
0x38: {  	s10 =	sld [smem:$0x3FA6]  }
0x39: {  	_ = 	snop;
	(pc) =	sbr.ind lr, $3  }
0x3a: {  	_ = 	snop  }
0x3b: {  	_ = 	snop  }
0x3c: {  	p2 =	seq.s32 s10, $0x1;
	s10 =	sld [smem:$0x3FA5]  }
0x3d: {  	_ =	shalt  }
0x3e: {  	_ =	shalt  }
0x3f: {  	_ =	shalt  }
0x40: {  	_ =	shalt  }
0x41: {  	_ =	shalt  }
0x42: {  	_ =	shalt  }
0x43: {  	_ =	shalt  }
0x44: {  	_ =	shalt  }
0x45: {  	_ =	shalt  }
0x46: {  	_ =	shalt  }
0x47: {  	_ =	shalt  }
0x48: {  	_ =	shalt  }
0x49: {  	_ =	shalt  }
0x4a: {  	_ =	shalt  }
0x4b: {  	_ =	shalt  }
0x4c: {  	_ =	shalt  }
0x4d: {  	_ =	shalt  }
0x4e: {  	_ =	shalt  }
0x4f: {  	_ =	shalt  }
0x50: {  	_ =	shalt  }
0x51: {  	_ =	shalt  }
0x52: {  	_ =	shalt  }
0x53: {  	_ =	shalt  }
0x54: {  	_ =	shalt  }
0x55: {  	_ =	shalt  }
0x56: {  	_ =	shalt  }
0x57: {  	_ =	shalt  }
0x58: {  	_ =	shalt  }
0x59: {  	_ =	shalt  }
0x5a: {  	_ =	shalt  }
0x5b: {  	_ =	shalt  }
0x5c: {  	_ =	shalt  }
0x5d: {  	_ =	shalt  }
0x5e: {  	_ =	shalt  }
0x5f: {  	_ =	shalt  }
0x60: {  	_ =	shalt  }
0x61: {  	_ =	shalt  }
0x62: {  	_ =	shalt  }
0x63: {  	_ =	shalt  }
0x64: {  	_ =	shalt  }
0x65: {  	_ =	shalt  }
0x66: {  	_ =	shalt  }
0x67: {  	_ =	shalt  }
0x68: {  	_ =	shalt  }
0x69: {  	_ =	shalt  }
0x6a: {  	_ =	shalt  }
0x6b: {  	_ =	shalt  }
0x6c: {  	_ =	shalt  }
0x6d: {  	_ =	shalt  }
0x6e: {  	_ =	shalt  }
0x6f: {  	_ =	shalt  }
0x70: {  	_ =	shalt  }
0x71: {  	_ =	shalt  }
0x72: {  	_ =	shalt  }
0x73: {  	_ =	shalt  }
0x74: {  	_ =	shalt  }
0x75: {  	_ =	shalt  }
0x76: {  	_ =	shalt  }
0x77: {  	_ =	shalt  }
0x78: {  	_ =	shalt  }
0x79: {  	_ =	shalt  }
0x7a: {  	_ =	shalt  }
0x7b: {  	_ =	shalt  }
0x7c: {  	_ =	shalt  }
0x7d: {  	_ =	shalt  }
0x7e: {  	_ =	shalt  }
0x7f: {  	_ =	shalt  }
0x80: {  	_ =	shalt  }
0x81: {  	_ =	shalt  }
0x82: {  	_ =	shalt  }
0x83: {  	_ =	shalt  }
0x84: {  	_ =	shalt  }
0x85: {  	_ =	shalt  }
0x86: {  	_ =	shalt  }
0x87: {  	_ =	shalt  }
.Lfunc_end0:
.L_simem_size_0:
called_computation.2_lowered:
.L_overlay_start_0:
0x88: {  	s2 =	sld [smem:$0x3FD9]  }
0x89: {  	s3 =	sld [smem:$0x3FFE];
	_ =	sdelay $0x1  }
0x8a: {  	s1 =	srdreg.scid  }
0x8b: {  	s0 =	sand.u32 $0x1, s1  }
0x8c: {  	s16 =	sshll.u32 s0, $0xA;
	s2 =	sadd.s32 s3, s2  }
0x8d: {  	s2 =	sadd.s32 s2, s16  }
0x8e: {  	[smem:$0x3FB1] =	sst s2  }
0x8f: {  	_ = 	snop  }
0x90: {  	(tm) =	ssettm $0x1  }
0x91: {  	s17 =	sld [smem:$0x3FFB];
	_ =	sdelay $0x3  }
0x92: {  	_ =	strace s17  }
0x93: {  	s2 =	sld [smem:$0x3FFC];
	_ =	sdelay $0x3  }
0x94: {  	_ =	strace s2  }
0x95: {  	s2 =	sld [smem:$0x3FFD];
	_ =	sdelay $0x3  }
0x96: {  	_ =	strace s2  }
0x97: {  	_ =	strace $0x8FFFFFFF  }
0x98: {  	s18 =	sld [smem:$0x3FDB];
	_ =	sdelay $0x1  }
0x99: {  	s19 =	simm.s32 $_scs_section_size  }
0x9a: {  	s4 =	simm.s32 $_size__tile_overlayer_lowered;
	s5 =	simm.s32 $_tile_overlayer_lowered  }
0x9b: {  	s22 =	simm.s32 $0x1BFF;
	s21 =	sshll.u32 s5, $0x1;
	s2 =	sadd.s32 s19, s18  }
0x9c: {  	s6 =	simm.s32 $0x0;
	s20 =	sshll.u32 s4, $0x1;
	s4 =	sadd.s32 s21, s2  }
0x9d: {  	[timem:s6], [sflag:s22] =	dma.local [hbm:s4], s20  }
0x9e: {  	_ =	swait.ge [sflag:s22], s20  }
0x9f: {  	s3 =	ssub.s32 $0x0, s20;
	[sflag:s22] =	ssyncset.done $0x0  }
0xa0: {  	[sflag:s22] =	ssyncadd.s32 s3;
	_ =	sdelay $0x1  }
0xa1: {  	s23 =	simm.s32 $0x1B8B  }
0xa2: {  	_ =	swait.ge [sflag:s23], $0x1  }
0xa3: {  	[sflag:s23] =	ssyncset.done $0x0  }
0xa4: {  	s25 =	simm.s32 $0x1B8E;
	s24 =	sld [smem:$0x3FFE];
	[sflag:s23] =	ssyncadd.s32 $0xFFFFFFFF  }
0xa5: {  	s26 =	simm.s32 $execute0_lowered;
	[smem:$0x3FD2] =	sst s25  }
0xa6: {  	s4 =	sshll.u32 s26, $0x1;
	_ =	strace $0x8000004C;
	[dreg:$0x1] =	wrdreg $0xFFFFFFFF  }
0xa7: {  	s28 =	simm.s32 $_size_execute0_lowered;
	s2 =	sadd.s32 s2, s4;
	[dreg:$0x0] =	wrdreg $0x0  }
0xa8: {  	s4 =	sshll.u32 s28, $0x1;
	[dreg:$0x2] =	wrdreg s2  }
0xa9: {  	[dreg:$0x3] =	wrdreg s4  }
0xaa: {  	[dreg:$0x4] =	wrdreg $0xC0  }
0xab: {  	_ =	task [dreg:s6], $0x5FFFF  }
0xac: {  	[dreg:$0x1] =	wrdreg $0xFFFFFFFF  }
0xad: {  	[dreg:$0x0] =	wrdreg $0x60  }
0xae: {  	[dreg:$0x2] =	wrdreg s24  }
0xaf: {  	[dreg:$0x3] =	wrdreg $0x90000  }
0xb0: {  	[dreg:$0x4] =	wrdreg $0x12C400  }
0xb1: {  	[dreg:$0x5] =	wrdreg $0x9  }
0xb2: {  	_ =	task.clear_ibuf [dreg:s6], $0x6FFFF;
	_ =	strace $0x9000004C  }
0xb3: {  	s29 =	simm.s32 $0x9;
	_ =	strace $0x8000004E  }
0xb4: {  	_ =	swait.ge [sflag:s29], $0x1  }
0xb5: {  	[sflag:s29] =	ssyncadd.s32 $0xFFFFFFFF  }
0xb6: {  	_ =	strace $0x9000004E  }
0xb7: {  	_ =	sfence  }
0xb8: {  	s30 =	sld [smem:$0x0];
	_ =	sdelay $0x2  }
0xb9: {  	s31 =	sshll.u32 s1, $0xD;
	s1 =	sshrl.u32 s1, $0x2  }
0xba: {  	s3 =	sand.u32 $0x4000, s31;
	s1 =	sadd.s32 s1, s30  }
0xbb: {  	s0 =	sor.u32 s3, s0;
	s1 =	sshll.u32 s1, $0x11  }
0xbc: {  	s0 =	sor.u32 s1, s0  }
0xbd: {  	s0 =	sadd.s32 $0x8F2B, s0  }
0xbe: {  	[sflag:s0] =	ssyncadd.remote.s32 $0x1  }
0xbf: {  	_ =	sfence.sel $0xFFFF  }
0xc0: {  	[dreg:$0x0] =	wrdreg $0xFFFFFFFF;
	(pc) =	sbr.abs _section_cstart, $3  }
0xc1: {  	[dreg:$0x1] =	wrdreg $0xFFFFFFFF  }
0xc2: {  	_ =	task.clear_ibuf [dreg:s6], $0x2FFFF;
	_ =	strace $0x9FFFFFFF  }
0xc3: {  	(tm) =	ssettm $0x7FFFFFFF  }
tec
execute0_lowered:
.L_overlay_start_1:
0x0: {  	(tag) =	ssettag $0x1  }
0x1: {  	s7 =	rddreg [dreg:$0x0]  }
0x2: {  	s2 =	rddreg [dreg:$0x1]  }
0x3: {  	s0 =	srdreg.scid;
	s3 =	rddreg [dreg:$0x2];
	s4 =	simm.s32 $0x0  }
0x4: {  	s17 =	simm.s32 $0x5000;
	s18 =	simm.s32 $0x1;
	s19 =	simm.s32 $0x7000  }
0x5: {  	s20 =	simm.s32 $0x2;
	s6 =	sand.u32 $0x1, s0;
	s0 =	stileid.u32  }
0x6: {  	s21 =	simm.s32 $0x100;
	s22 =	simm.s32 $0x2880;
	s8 =	smul.u32 $0x13880, s0  }
0x7: {  	s23 =	simm.s32 $0x0;
	[smem:$0x7FF] =	sst s4;
	s9 =	smul.u32 $0x1390, s0  }
0x8: {  	s1 =	sshll.u32 s6, $0x4;
	s11 =	smul.u32 $0x13900, s6;
	s6 =	ssub.s32 $0x2, s6  }
0x9: {  	s13 =	smul.u32 $0x27200, s0;
	s30 =	sshll.u32 s0, $0x6;
	s1 =	sor.u32 s0, s1  }
0xa: {  	s29 =	sshrl.u32 s6, $0x1;
	s5 =	smul.u32 $0x500, s1;
	s1 =	rddreg [dreg:$0x3]  }
0xb: {  	s10 =	sshrl.u32 s8, $0x4;
	_ =	strace $0x8000004D;
	s9 =	sadd.s32 s9, s11  }
0xc: {  	s8 =	sshrl.u32 s8, $0x1;
	s11 =	ssub.s32 s6, s29;
	s31 =	sshrl.u32 s13, $0x2  }
0xd: {  	s13 =	simm.s32 $0x3;
	s10 =	sadd.s32 s10, s7;
	s14 =	sadd.s32 s9, s7  }
.Ltmp0:
0xe: {  	s15 =	sadd.s32 s8, s2;
	s16 =	sadd.s32 s31, s3;
	(pc) =	sbr.rel .LBB2_1-.Ltmp0, $4  }
0xf: {  	s11 =	smax.u32 s11, $0x1;
	s12 =	sadd.s32 s5, s7;
	s5 =	sadd.s32 $0x4200, s7  }
0x10: {  	s6 =	sadd.s32 $0x5600, s10;
	s7 =	sor.u32 $0x1C03, s30;
	s10 =	sadd.s32 $0x2D800, s14  }
0x11: {  	s14 =	sshrl.u32 s16, $0x3;
	s16 =	simm.s32 $0x80;
	s8 =	sadd.s32 $0x23800, s12  }
0x12: {  	s9 =	sadd.s32 $0x19800, s12;
	s12 =	sshrl.u32 s15, $0x3;
	s15 =	simm.s32 $0x2800  }
.LBB2_4:
0x13: {  	[spmem:s3] =	stream.indirect.scatter.add.bf16 [tilespmem:s19], [sflag:$0x2], $0x40, s26, s16, $0xb8;
	[tilespmem:$0x1C8C0] =	vst v63  }
0x14: {  	_ =	swait.ge [sflag:s20], $0x2000  }
0x15: {  	s23 =	sadd.s32 $0x1, s23;
	[sflag:s20] =	ssyncset.done $0x0  }
0x16: {  	p0 =	sne.s32 s23, s11;
	[sflag:s20] =	ssyncadd.s32 $0xFFFFE000  }
.Ltmp1:
0x17: {  	[bflag:$0x0] =	sbarrier.arrive $0xFFFF;
	(pc) =	sbr.rel @!p0 .LBB2_5-.Ltmp1, $4  }
0x18: {  	[hbm:s10], [sflag:s7] =	dma.local [spmem:s14], $0x1390  }
0x19: {  	_ =	swait.ge [sflag:s13], $0x1390  }
0x1a: {  	[sflag:s13] =	ssyncset.done $0x0  }
0x1b: {  	[sflag:s13] =	ssyncadd.s32 $0xFFFFEC70  }
.LBB2_1:
0x1c: {  	[spmem:s12], [sflag:s7] =	dma.local [hbm:s6], $0x1388  }
0x1d: {  	_ =	swait.ge [sflag:s13], $0x1388  }
0x1e: {  	[sflag:s13] =	ssyncset.done $0x0  }
0x1f: {  	[sflag:s13] =	ssyncadd.s32 $0xFFFFEC78  }
0x20: {  	[spmem:s14], [sflag:s7] =	dma.local [hbm:s5], $0x1390  }
0x21: {  	_ =	swait.ge [sflag:s13], $0x1390  }
0x22: {  	[sflag:s13] =	ssyncset.done $0x0  }
0x23: {  	[sflag:s13] =	ssyncadd.s32 $0xFFFFEC70  }
0x24: {  	[bflag:$0x0] =	sbarrier.arrive $0xFFFF  }
0x25: {  	[tilespmem:s4], [sflag:$0x3] =	stream.linear.gather [hbm4b:s8+s4], $0x2800, $0x38;
	[tilespmem:$0x1C8C0] =	vst v63  }
0x26: {  	_ =	swait.ge [sflag:s13], $0x2800  }
0x27: {  	[sflag:s13] =	ssyncset.done $0x0  }
0x28: {  	[sflag:s13] =	ssyncadd.s32 $0xFFFFD800  }
0x29: {  	[tilespmem:s15], [sflag:$0x3] =	stream.linear.gather [hbm4b:s9+s4], $0x2800, $0x38;
	[tilespmem:$0x1C8C0] =	vst v63  }
0x2a: {  	_ =	swait.ge [sflag:s13], $0x2800  }
0x2b: {  	[sflag:s13] =	ssyncset.done $0x0  }
0x2c: {  	[sflag:s13] =	ssyncadd.s32 $0xFFFFD800  }
0x2d: {  	[tilespmem:s17], [sflag:$0x1] =	stream.indirect.gather [spmem:s2], $0x40, s4, s16, $0xb8;
	[tilespmem:$0x1C8C0] =	vst v63  }
0x2e: {  	_ =	swait.ge [sflag:s18], $0x2000  }
0x2f: {  	[sflag:s18] =	ssyncset.done $0x0  }
0x30: {  	[sflag:s18] =	ssyncadd.s32 $0xFFFFE000  }
0x31: {  	[tilespmem:s19], [sflag:$0x1] =	stream.indirect.gather [spmem:s2], $0x40, s16, s16, $0xb8;
	[tilespmem:$0x1C8C0] =	vst v63  }
0x32: {  	_ = 	snop  }
0x33: {  	[spmem:s3] =	stream.indirect.scatter.add.bf16 [tilespmem:s17], [sflag:$0x2], $0x40, s15, s16, $0xb8;
	[tilespmem:$0x1C8C0] =	vst v63  }
0x34: {  	_ =	swait.ge [sflag:s18], $0x2000  }
0x35: {  	[sflag:s18] =	ssyncset.done $0x0  }
0x36: {  	[sflag:s18] =	ssyncadd.s32 $0xFFFFE000  }
0x37: {  	_ =	swait.ge [sflag:s20], $0x2000  }
0x38: {  	[sflag:s20] =	ssyncset.done $0x0  }
0x39: {  	[sflag:s20] =	ssyncadd.s32 $0xFFFFE000  }
0x3a: {  	[tilespmem:s17], [sflag:$0x1] =	stream.indirect.gather [spmem:s2], $0x40, s21, s16, $0xb8;
	[tilespmem:$0x1C8C0] =	vst v63  }
0x3b: {  	s24 =	simm.s32 $0xFFFF6800  }
0x3c: {  	[spmem:s3] =	stream.indirect.scatter.add.bf16 [tilespmem:s19], [sflag:$0x2], $0x40, s22, s16, $0xb8;
	[tilespmem:$0x1C8C0] =	vst v63  }
.LBB2_2:
0x3d: {  	_ =	swait.ge [sflag:s18], $0x2000  }
0x3e: {  	[sflag:s18] =	ssyncset.done $0x0  }
0x3f: {  	[sflag:s18] =	ssyncadd.s32 $0xFFFFE000  }
0x40: {  	_ =	swait.ge [sflag:s20], $0x2000  }
0x41: {  	s25 =	sshra.s32 s24, $0x2;
	[sflag:s20] =	ssyncset.done $0x0  }
0x42: {  	s26 =	sadd.s32 $0x2780, s25;
	[sflag:s20] =	ssyncadd.s32 $0xFFFFE000  }
0x43: {  	[tilespmem:s19], [sflag:$0x1] =	stream.indirect.gather [spmem:s2], $0x40, s26, s16, $0xb8;
	[tilespmem:$0x1C8C0] =	vst v63  }
0x44: {  	s31 =	sadd.s32 $0x4F00, s25  }
0x45: {  	[spmem:s3] =	stream.indirect.scatter.add.bf16 [tilespmem:s17], [sflag:$0x2], $0x40, s31, s16, $0xb8;
	[tilespmem:$0x1C8C0] =	vst v63  }
0x46: {  	p0 =	seq.s32 s24, $0x0;
	_ =	swait.ge [sflag:s18], $0x2000  }
.Ltmp2:
0x47: {  	[sflag:s18] =	ssyncset.done $0x0;
	(pc) =	sbr.rel @p0 .LBB2_4-.Ltmp2, $4  }
0x48: {  	[sflag:s18] =	ssyncadd.s32 $0xFFFFE000  }
0x49: {  	_ =	swait.ge [sflag:s20], $0x2000  }
0x4a: {  	[sflag:s20] =	ssyncset.done $0x0  }
0x4b: {  	s26 =	sadd.s32 $0x4F80, s25;
	[sflag:s20] =	ssyncadd.s32 $0xFFFFE000  }
.Ltmp3:
0x4c: {  	(pc) =	sbr.rel .LBB2_2-.Ltmp3, $4  }
0x4d: {  	s25 =	sadd.s32 $0x2800, s25  }
0x4e: {  	[tilespmem:s17], [sflag:$0x1] =	stream.indirect.gather [spmem:s2], $0x40, s25, s16, $0xb8;
	[tilespmem:$0x1C8C0] =	vst v63  }
0x4f: {  	s24 =	sadd.s32 $0x400, s24  }
0x50: {  	[spmem:s3] =	stream.indirect.scatter.add.bf16 [tilespmem:s19], [sflag:$0x2], $0x40, s26, s16, $0xb8;
	[tilespmem:$0x1C8C0] =	vst v63  }
.LBB2_5:
0x51: {  	_ =	sfence.sel $0x180000  }
0x52: {  	[bflag:$0x0] =	sbarrier.arrive $0xFFFF  }
0x53: {  	p0 =	sne.s32 s0, $0x0;
	_ =	strace $0x9000004D  }
0x54: {  	s0 =	sadd.s32 @!p0 $0x100000, s1;
	[bflag:$0x2] =	sbarrier.arrive $0xFFFF  }
0x55: {  	[sflag:s0] =	ssyncadd.tile.s32 @!p0 $0x1;
	_ =	shalt  }
.Lfunc_end2:
_tile_overlayer_lowered:
.L_overlay_start_2:
0x56: {  	(tag) =	ssettag $0x2  }
0x57: {  	s0 =	rddreg [dreg:$0x0];
	s2 =	stileid.u32  }
0x58: {  	s1 =	rddreg [dreg:$0x1];
	p0 =	sne.s32 s2, $0x0  }
0x59: {  	s3 =	rddreg [dreg:$0x2];
	[bflag:$0x3] =	sbarrier.arrive $0xFFFF;
	s2 =	simm.s32 @!p0 $0x1C03  }
0x5a: {  	[timem:s3], [sflag:s2] =	dma.local @!p0 [hbm:s0], s1  }
0x5b: {  	s0 =	simm.s32 @!p0 $0x3  }
0x5c: {  	_ =	swait.ge @!p0 [sflag:s0], s1  }
0x5d: {  	s1 =	ssub.s32 @!p0 $0x0, s1;
	[sflag:s0] =	ssyncset.done @!p0 $0x0  }
0x5e: {  	[sflag:s0] =	ssyncadd.s32 @!p0 s1  }
0x5f: {  	[bflag:$0x3] =	sbarrier.arrive $0xFFFF  }
0x60: {  	_ =	shalt  }

// kernel: kernel.9.cloned.1.call-start
scs
__scs_entry_jumppad:
0x0: {  	(pc) =	sbr.rel $0x88, $3  }
0x1: {  	(tag) =	ssettag $0x0;
	lr =	simm.s32 $0x1  }
0x2: {  	[smem:$0x3F8A] =	sst lr;
	_ =	strace $0xD0000000  }
0x3: {  	_ = 	snop  }
0x4: {  	_ = 	snop  }
0x5: {  	_ = 	snop  }
0x6: {  	_ = 	snop  }
0x7: {  	_ = 	snop  }
__scs_overlays_trampoline_lowered:
0x8: {  	[smem:$0x3F99] =	sst s0  }
0x9: {  	[smem:$0x3F9A] =	sst s1  }
0xa: {  	[smem:$0x3F9B] =	sst s2  }
0xb: {  	[smem:$0x3F9C] =	sst s3  }
0xc: {  	[smem:$0x3F9D] =	sst s4  }
0xd: {  	[smem:$0x3F9E] =	sst s5  }
0xe: {  	[smem:$0x3F9F] =	sst s6  }
0xf: {  	[smem:$0x3FA0] =	sst s7  }
0x10: {  	[smem:$0x3FA1] =	sst s8  }
0x11: {  	[smem:$0x3FA2] =	sst s9;
	s0 =	simm.s32 @!p0 $0x0  }
0x12: {  	s1 =	sld [smem:$0x3F88];
	s0 =	simm.s32 @p0 $0x1  }
0x13: {  	[smem:$0x3FA3] =	sst s0;
	s0 =	simm.s32 @!p1 $0x0  }
0x14: {  	s2 =	sld [smem:$0x3F87];
	s0 =	simm.s32 @p1 $0x1  }
0x15: {  	[smem:$0x3FA4] =	sst s0;
	s0 =	simm.s32 @!p2 $0x0  }
0x16: {  	s3 =	sld [smem:$0x3FDB];
	s0 =	simm.s32 @p2 $0x1  }
0x17: {  	s4 =	simm.s32 $0x1BF5;
	[smem:$0x3FA6] =	sst s0  }
0x18: {  	s0 =	sld [smem:$0x3F89];
	_ =	swait.ge [sflag:s4], $0x0  }
0x19: {  	s7 =	sld [smem:$0x3F8A]  }
0x1a: {  	s8 =	sadd.s32 $0xFFFFE003, lr  }
0x1b: {  	s9 =	sadd.s32 $0xFFFFFEF7, lr;
	s5 =	simm.s32 $0xFFFFFFFF;
	p2 =	slt.u32 s8, $0xFFFFF086  }
0x1c: {  	p1 =	slt.u32 s9, $0xF7A;
	s5 =	simm.s32 @!p2 $0x0  }
0x1d: {  	s5 =	simm.s32 @p1 $0x1;
	p0 =	seq.s32 s7, s2  }
0x1e: {  	s7 =	smul.u32 @!p0 $0xF7A, s2;
	p2 =	seq.s32 @!p0 s5, $0x0  }
0x1f: {  	s9 =	smul.u32 $0xF7A, s1;
	s8 =	simm.s32 @!p0 $0x1BF5;
	p2 =	por !p2, p0  }
0x20: {  	[sflag:s8] =	ssyncset.s32 @!p0 $0xFFFFF086;
	s6 =	sadd.s32 @!p0 s3, s7;
	s7 =	simm.s32 @!p0 $0x108  }
0x21: {  	s3 =	sadd.s32 s3, s9;
	s6 =	sadd.s32 @!p0 $0x88, s6;
	s7 =	simm.s32 @p2 $0x1082  }
0x22: {  	[simem:s7], [sflag:s8] =	dma.local @!p0 [hbm:s6], $0xF7A  }
0x23: {  	s9 =	sor.u32 $0xD0000000, s2;
	s6 =	simm.s32 $0x108;
	_ =	swait.ge @!p0 [sflag:s8], $0x0  }
0x24: {  	s3 =	sadd.s32 $0x88, s3;
	s6 =	simm.s32 @!p1 $0x1082;
	[sflag:s4] =	ssyncset.s32 $0xFFFFF086  }
0x25: {  	[simem:s6], [sflag:s4] =	dma.local [hbm:s3], $0xF7A  }
0x26: {  	[smem:$0x3F8A] =	sst s1;
	(tag) =	ssettag s2;
	_ =	strace s9  }
0x27: {  	s1 =	sld [smem:$0x3F9A]  }
0x28: {  	s2 =	sld [smem:$0x3F9B]  }
0x29: {  	s4 =	sld [smem:$0x3F9D]  }
0x2a: {  	p0 =	seq.s32 s5, $0x0;
	s5 =	sld [smem:$0x3F9E]  }
0x2b: {  	s6 =	sld [smem:$0x3F9F]  }
0x2c: {  	s7 =	sld [smem:$0x3FA0]  }
0x2d: {  	s3 =	simm.s32 $0x108;
	s8 =	sld [smem:$0x3FA1]  }
0x2e: {  	s3 =	simm.s32 @!p0 $0x1082;
	s9 =	sld [smem:$0x3FA2]  }
0x2f: {  	lr =	sadd.s32 s0, s3;
	s0 =	sld [smem:$0x3F99]  }
0x30: {  	s3 =	sld [smem:$0x3F9C]  }
0x31: {  	[smem:$0x3FA5] =	sst s10  }
0x32: {  	s10 =	sld [smem:$0x3FA3];
	_ =	sdelay $0x3  }
0x33: {  	p0 =	seq.s32 s10, $0x1;
	s10 =	sld [smem:$0x3FA5];
	_ =	sdelay $0x3  }
0x34: {  	[smem:$0x3FA5] =	sst s10  }
0x35: {  	s10 =	sld [smem:$0x3FA4];
	_ =	sdelay $0x3  }
0x36: {  	p1 =	seq.s32 s10, $0x1;
	s10 =	sld [smem:$0x3FA5];
	_ =	sdelay $0x3  }
0x37: {  	[smem:$0x3FA5] =	sst s10  }
0x38: {  	s10 =	sld [smem:$0x3FA6]  }
0x39: {  	_ = 	snop;
	(pc) =	sbr.ind lr, $3  }
0x3a: {  	_ = 	snop  }
0x3b: {  	_ = 	snop  }
0x3c: {  	p2 =	seq.s32 s10, $0x1;
	s10 =	sld [smem:$0x3FA5]  }
0x3d: {  	_ =	shalt  }
0x3e: {  	_ =	shalt  }
0x3f: {  	_ =	shalt  }
0x40: {  	_ =	shalt  }
0x41: {  	_ =	shalt  }
0x42: {  	_ =	shalt  }
0x43: {  	_ =	shalt  }
0x44: {  	_ =	shalt  }
0x45: {  	_ =	shalt  }
0x46: {  	_ =	shalt  }
0x47: {  	_ =	shalt  }
0x48: {  	_ =	shalt  }
0x49: {  	_ =	shalt  }
0x4a: {  	_ =	shalt  }
0x4b: {  	_ =	shalt  }
0x4c: {  	_ =	shalt  }
0x4d: {  	_ =	shalt  }
0x4e: {  	_ =	shalt  }
0x4f: {  	_ =	shalt  }
0x50: {  	_ =	shalt  }
0x51: {  	_ =	shalt  }
0x52: {  	_ =	shalt  }
0x53: {  	_ =	shalt  }
0x54: {  	_ =	shalt  }
0x55: {  	_ =	shalt  }
0x56: {  	_ =	shalt  }
0x57: {  	_ =	shalt  }
0x58: {  	_ =	shalt  }
0x59: {  	_ =	shalt  }
0x5a: {  	_ =	shalt  }
0x5b: {  	_ =	shalt  }
0x5c: {  	_ =	shalt  }
0x5d: {  	_ =	shalt  }
0x5e: {  	_ =	shalt  }
0x5f: {  	_ =	shalt  }
0x60: {  	_ =	shalt  }
0x61: {  	_ =	shalt  }
0x62: {  	_ =	shalt  }
0x63: {  	_ =	shalt  }
0x64: {  	_ =	shalt  }
0x65: {  	_ =	shalt  }
0x66: {  	_ =	shalt  }
0x67: {  	_ =	shalt  }
0x68: {  	_ =	shalt  }
0x69: {  	_ =	shalt  }
0x6a: {  	_ =	shalt  }
0x6b: {  	_ =	shalt  }
0x6c: {  	_ =	shalt  }
0x6d: {  	_ =	shalt  }
0x6e: {  	_ =	shalt  }
0x6f: {  	_ =	shalt  }
0x70: {  	_ =	shalt  }
0x71: {  	_ =	shalt  }
0x72: {  	_ =	shalt  }
0x73: {  	_ =	shalt  }
0x74: {  	_ =	shalt  }
0x75: {  	_ =	shalt  }
0x76: {  	_ =	shalt  }
0x77: {  	_ =	shalt  }
0x78: {  	_ =	shalt  }
0x79: {  	_ =	shalt  }
0x7a: {  	_ =	shalt  }
0x7b: {  	_ =	shalt  }
0x7c: {  	_ =	shalt  }
0x7d: {  	_ =	shalt  }
0x7e: {  	_ =	shalt  }
0x7f: {  	_ =	shalt  }
0x80: {  	_ =	shalt  }
0x81: {  	_ =	shalt  }
0x82: {  	_ =	shalt  }
0x83: {  	_ =	shalt  }
0x84: {  	_ =	shalt  }
0x85: {  	_ =	shalt  }
0x86: {  	_ =	shalt  }
0x87: {  	_ =	shalt  }
.Lfunc_end0:
.L_simem_size_0:
called_computation_lowered:
.L_overlay_start_0:
0x88: {  	s2 =	sld [smem:$0x3FD9]  }
0x89: {  	s3 =	sld [smem:$0x3FFE];
	_ =	sdelay $0x1  }
0x8a: {  	s1 =	srdreg.scid  }
0x8b: {  	s0 =	sand.u32 $0x1, s1  }
0x8c: {  	s16 =	sshll.u32 s0, $0xA;
	s2 =	sadd.s32 s3, s2  }
0x8d: {  	s2 =	sadd.s32 s2, s16  }
0x8e: {  	[smem:$0x3FB1] =	sst s2  }
0x8f: {  	_ = 	snop  }
0x90: {  	(tm) =	ssettm $0x1  }
0x91: {  	s17 =	sld [smem:$0x3FFB];
	_ =	sdelay $0x3  }
0x92: {  	_ =	strace s17  }
0x93: {  	s2 =	sld [smem:$0x3FFC];
	_ =	sdelay $0x3  }
0x94: {  	_ =	strace s2  }
0x95: {  	s2 =	sld [smem:$0x3FFD];
	_ =	sdelay $0x3  }
0x96: {  	_ =	strace s2  }
0x97: {  	_ =	strace $0x8FFFFFFF  }
0x98: {  	s18 =	sld [smem:$0x3FDB];
	_ =	sdelay $0x1  }
0x99: {  	s19 =	simm.s32 $_scs_section_size  }
0x9a: {  	s4 =	simm.s32 $_size__tile_overlayer_lowered;
	s5 =	simm.s32 $_tile_overlayer_lowered  }
0x9b: {  	s22 =	simm.s32 $0x1BFF;
	s21 =	sshll.u32 s5, $0x1;
	s2 =	sadd.s32 s19, s18  }
0x9c: {  	s6 =	simm.s32 $0x0;
	s20 =	sshll.u32 s4, $0x1;
	s4 =	sadd.s32 s21, s2  }
0x9d: {  	[timem:s6], [sflag:s22] =	dma.local [hbm:s4], s20  }
0x9e: {  	_ =	swait.ge [sflag:s22], s20  }
0x9f: {  	s3 =	ssub.s32 $0x0, s20;
	[sflag:s22] =	ssyncset.done $0x0  }
0xa0: {  	[sflag:s22] =	ssyncadd.s32 s3;
	_ =	sdelay $0x1  }
0xa1: {  	s23 =	simm.s32 $0x1B8B  }
0xa2: {  	_ =	swait.ge [sflag:s23], $0x1  }
0xa3: {  	[sflag:s23] =	ssyncset.done $0x0  }
0xa4: {  	s25 =	simm.s32 $0x1B8E;
	s24 =	sld [smem:$0x3FFE];
	[sflag:s23] =	ssyncadd.s32 $0xFFFFFFFF  }
0xa5: {  	s26 =	simm.s32 $execute0_lowered;
	[smem:$0x3FD2] =	sst s25  }
0xa6: {  	s4 =	sshll.u32 s26, $0x1;
	_ =	strace $0x80000046;
	[dreg:$0x1] =	wrdreg $0xFFFFFFFF  }
0xa7: {  	s28 =	simm.s32 $_size_execute0_lowered;
	s2 =	sadd.s32 s2, s4;
	[dreg:$0x0] =	wrdreg $0x0  }
0xa8: {  	s4 =	sshll.u32 s28, $0x1;
	[dreg:$0x2] =	wrdreg s2  }
0xa9: {  	[dreg:$0x3] =	wrdreg s4  }
0xaa: {  	[dreg:$0x4] =	wrdreg $0xC0  }
0xab: {  	_ =	task [dreg:s6], $0x5FFFF  }
0xac: {  	[dreg:$0x1] =	wrdreg $0xFFFFFFFF  }
0xad: {  	[dreg:$0x0] =	wrdreg $0x60  }
0xae: {  	[dreg:$0x2] =	wrdreg s24  }
0xaf: {  	[dreg:$0x3] =	wrdreg $0x98000  }
0xb0: {  	[dreg:$0x4] =	wrdreg $0x134400  }
0xb1: {  	[dreg:$0x5] =	wrdreg $0x1D0C00  }
0xb2: {  	[dreg:$0x6] =	wrdreg $0x9  }
0xb3: {  	_ =	task.clear_ibuf [dreg:s6], $0x7FFFF;
	_ =	strace $0x90000046  }
0xb4: {  	s29 =	simm.s32 $0x9;
	_ =	strace $0x80000048  }
0xb5: {  	_ =	swait.ge [sflag:s29], $0x1  }
0xb6: {  	[sflag:s29] =	ssyncadd.s32 $0xFFFFFFFF  }
0xb7: {  	_ =	strace $0x90000048  }
0xb8: {  	_ =	sfence  }
0xb9: {  	s30 =	sld [smem:$0x0];
	_ =	sdelay $0x2  }
0xba: {  	s31 =	sshll.u32 s1, $0xD;
	s1 =	sshrl.u32 s1, $0x2  }
0xbb: {  	s3 =	sand.u32 $0x4000, s31;
	s1 =	sadd.s32 s1, s30  }
0xbc: {  	s0 =	sor.u32 s3, s0;
	s1 =	sshll.u32 s1, $0x11  }
0xbd: {  	s0 =	sor.u32 s1, s0  }
0xbe: {  	s0 =	sadd.s32 $0x8F2B, s0  }
0xbf: {  	[sflag:s0] =	ssyncadd.remote.s32 $0x1  }
0xc0: {  	_ =	sfence.sel $0xFFFF  }
0xc1: {  	[dreg:$0x0] =	wrdreg $0xFFFFFFFF;
	(pc) =	sbr.abs _section_cstart, $3  }
0xc2: {  	[dreg:$0x1] =	wrdreg $0xFFFFFFFF  }
0xc3: {  	_ =	task.clear_ibuf [dreg:s6], $0x2FFFF;
	_ =	strace $0x9FFFFFFF  }
0xc4: {  	(tm) =	ssettm $0x7FFFFFFF  }
0xc5: {  	_ =	shalt  }
tec
execute0_lowered:
.L_overlay_start_1:
0x0: {  	(tag) =	ssettag $0x1  }
0x1: {  	s2 =	rddreg [dreg:$0x0]  }
0x2: {  	s0 =	srdreg.scid;
	s1 =	rddreg [dreg:$0x1]  }
0x3: {  	s17 =	stileid.u32;
	s3 =	rddreg [dreg:$0x2];
	s20 =	simm.s32 $0x9000  }
0x4: {  	s21 =	simm.s32 $0x2800;
	s22 =	simm.s32 $0x80;
	s9 =	smul.u32 $0x13880, s17  }
0x5: {  	s23 =	simm.s32 $0x5000;
	s29 =	simm.s32 $0x2880;
	s8 =	smul.u32 $0x272, s17  }
0x6: {  	s30 =	simm.s32 $0x3;
	s31 =	simm.s32 $0x0;
	s14 =	smul.u32 $0x27200, s17  }
0x7: {  	s0 =	sand.u32 $0x1, s0;
	s15 =	smul.u32 $0x9C80, s17;
	s25 =	sshll.u32 s17, $0x6  }
0x8: {  	s4 =	sshll.u32 s0, $0x4;
	s10 =	smul.u32 $0x2720, s0;
	s0 =	ssub.s32 $0x2, s0  }
0x9: {  	s5 =	sor.u32 s17, s4;
	s4 =	rddreg [dreg:$0x3];
	s7 =	sshrl.u32 s9, $0x4  }
0xa: {  	s24 =	sshrl.u32 s0, $0x1;
	s9 =	sshrl.u32 s9, $0x1;
	s26 =	sshrl.u32 s14, $0x2  }
0xb: {  	s28 =	sshrl.u32 s15, $0x2;
	s17 =	simm.s32 $0x4;
	s6 =	smul.u32 $0x500, s5  }
0xc: {  	s5 =	simm.s32 $0x0;
	s11 =	sadd.s32 s7, s2;
	s7 =	sadd.s32 $0x19000, s2  }
0xd: {  	s10 =	sadd.s32 s8, s10;
	s8 =	sadd.s32 $0x19600, s2;
	s0 =	ssub.s32 s0, s24  }
0xe: {  	s16 =	sadd.s32 s9, s1;
	s18 =	sadd.s32 s26, s3;
	s19 =	sadd.s32 s28, s4  }
0xf: {  	s24 =	simm.s32 $0x1;
	s26 =	simm.s32 $0x2;
	[smem:$0x7FF] =	sst s5  }
0x10: {  	s13 =	sshll.u32 s10, $0x3;
	s10 =	sshll.u32 s10, $0x1;
	s9 =	sadd.s32 $0x5600, s11  }
0x11: {  	s15 =	smax.u32 s0, $0x1;
	s16 =	sshrl.u32 s16, $0x3;
	s18 =	sshrl.u32 s18, $0x3  }
0x12: {  	s19 =	sshrl.u32 s19, $0x3;
	_ =	strace $0x80000047;
	s12 =	sadd.s32 s6, s2  }
0x13: {  	s6 =	sadd.s32 $0x4200, s2;
	s13 =	sadd.s32 s13, s2;
	s2 =	sadd.s32 s10, s2  }
0x14: {  	s10 =	sor.u32 $0x1C04, s25;
	s25 =	simm.s32 $0x7000;
	s11 =	sadd.s32 $0x23800, s12  }
0x15: {  	s12 =	sadd.s32 $0x19800, s12;
	s13 =	sadd.s32 $0x2D800, s13;
	s14 =	sadd.s32 $0x54A00, s2  }
.LBB2_1:
0x16: {  	[spmem:s16], [sflag:s10] =	dma.local [hbm:s9], $0x1388  }
0x17: {  	_ =	swait.ge [sflag:s17], $0x1388  }
0x18: {  	[sflag:s17] =	ssyncset.done $0x0  }
0x19: {  	[sflag:s17] =	ssyncadd.s32 $0xFFFFEC78  }
0x1a: {  	[spmem:s18], [sflag:s10] =	dma.local [hbm:s6], $0x1390  }
0x1b: {  	_ =	swait.ge [sflag:s17], $0x1390  }
0x1c: {  	[sflag:s17] =	ssyncset.done $0x0  }
0x1d: {  	[sflag:s17] =	ssyncadd.s32 $0xFFFFEC70  }
0x1e: {  	[spmem:s19], [sflag:s10] =	dma.local [hbm:s7], $0x4E4  }
0x1f: {  	_ =	swait.ge [sflag:s17], $0x4E4  }
0x20: {  	[sflag:s17] =	ssyncset.done $0x0  }
0x21: {  	[sflag:s17] =	ssyncadd.s32 $0xFFFFFB1C  }
0x22: {  	[tilespmem:s20], [sflag:$0x4] =	stream.linear.gather [hbm4b:s8+s5], $0x800, $0x38;
	[tilespmem:$0x1F7E0] =	vst v63  }
0x23: {  	_ =	swait.ge [sflag:s17], $0x800  }
0x24: {  	[sflag:s17] =	ssyncset.done $0x0  }
0x25: {  	[sflag:s17] =	ssyncadd.s32 $0xFFFFF800  }
0x26: {  	[bflag:$0x0] =	sbarrier.arrive $0xFFFF  }
0x27: {  	[tilespmem:s5], [sflag:$0x4] =	stream.linear.gather [hbm4b:s11+s5], $0x2800, $0x38;
	[tilespmem:$0x1F7E0] =	vst v63  }
0x28: {  	_ =	swait.ge [sflag:s17], $0x2800  }
0x29: {  	[sflag:s17] =	ssyncset.done $0x0  }
0x2a: {  	[sflag:s17] =	ssyncadd.s32 $0xFFFFD800  }
0x2b: {  	[tilespmem:s21], [sflag:$0x4] =	stream.linear.gather [hbm4b:s12+s5], $0x2800, $0x38;
	[tilespmem:$0x1F7E0] =	vst v63  }
0x2c: {  	_ =	swait.ge [sflag:s17], $0x2800  }
0x2d: {  	[sflag:s17] =	ssyncset.done $0x0  }
0x2e: {  	[sflag:s17] =	ssyncadd.s32 $0xFFFFD800  }
0x2f: {  	[tilespmem:s23], [sflag:$0x1] =	stream.indirect.gather [spmem:s1], $0x40, s5, s22, $0xb8;
	[tilespmem:$0x1F7E0] =	vst v63  }
0x30: {  	_ =	swait.ge [sflag:s24], $0x2000  }
0x31: {  	[sflag:s24] =	ssyncset.done $0x0  }
0x32: {  	[sflag:s24] =	ssyncadd.s32 $0xFFFFE000  }
0x33: {  	[tilespmem:s25], [sflag:$0x1] =	stream.indirect.gather [spmem:s1], $0x40, s22, s22, $0xb8;
	[tilespmem:$0x1F7E0] =	vst v63  }
0x34: {  	_ = 	snop  }
0x35: {  	[spmem:s3] =	stream.indirect.scatter.add.bf16 [tilespmem:s23], [sflag:$0x2], $0x40, s21, s22, $0xb8;
	[tilespmem:$0x1F7E0] =	vst v63  }
0x36: {  	_ = 	snop  }
0x37: {  	[spmem:s4] =	stream.indirect.scatter.add.bf16 [tilespmem:s20], [sflag:$0x3], $0x10, s21, s22, $0xb8;
	[tilespmem:$0x1F7E0] =	vst v63  }
0x38: {  	_ =	swait.ge [sflag:s24], $0x2000  }
0x39: {  	[sflag:s24] =	ssyncset.done $0x0  }
0x3a: {  	[sflag:s24] =	ssyncadd.s32 $0xFFFFE000  }
0x3b: {  	_ =	swait.ge [sflag:s26], $0x2000  }
0x3c: {  	[sflag:s26] =	ssyncset.done $0x0  }
0x3d: {  	s0 =	simm.s32 $0x100;
	[sflag:s26] =	ssyncadd.s32 $0xFFFFE000  }
0x3e: {  	[tilespmem:s23], [sflag:$0x1] =	stream.indirect.gather [spmem:s1], $0x40, s0, s22, $0xb8;
	[tilespmem:$0x1F7E0] =	vst v63  }
0x3f: {  	_ = 	snop  }
0x40: {  	[spmem:s3] =	stream.indirect.scatter.add.bf16 [tilespmem:s25], [sflag:$0x2], $0x40, s29, s22, $0xb8;
	[tilespmem:$0x1F7E0] =	vst v63  }
0x41: {  	s2 =	simm.s32 $0xFFFF6800  }
0x42: {  	[spmem:s4] =	stream.indirect.scatter.add.bf16 [tilespmem:s20], [sflag:$0x3], $0x10, s29, s22, $0xb8;
	[tilespmem:$0x1F7E0] =	vst v63  }
.LBB2_2:
0x43: {  	_ =	swait.ge [sflag:s24], $0x2000  }
0x44: {  	[sflag:s24] =	ssyncset.done $0x0  }
0x45: {  	[sflag:s24] =	ssyncadd.s32 $0xFFFFE000  }
0x46: {  	_ =	swait.ge [sflag:s26], $0x2000  }
0x47: {  	s0 =	sshra.s32 s2, $0x2;
	[sflag:s26] =	ssyncset.done $0x0  }
0x48: {  	s28 =	sadd.s32 $0x2780, s0;
	[sflag:s26] =	ssyncadd.s32 $0xFFFFE000  }
0x49: {  	[tilespmem:s25], [sflag:$0x1] =	stream.indirect.gather [spmem:s1], $0x40, s28, s22, $0xb8;
	[tilespmem:$0x1F7E0] =	vst v63  }
0x4a: {  	s28 =	sadd.s32 $0x4F00, s0  }
0x4b: {  	[spmem:s3] =	stream.indirect.scatter.add.bf16 [tilespmem:s23], [sflag:$0x2], $0x40, s28, s22, $0xb8;
	[tilespmem:$0x1F7E0] =	vst v63  }
0x4c: {  	_ = 	snop  }
0x4d: {  	[spmem:s4] =	stream.indirect.scatter.add.bf16 [tilespmem:s20], [sflag:$0x3], $0x10, s28, s22, $0xb8;
	[tilespmem:$0x1F7E0] =	vst v63  }
0x4e: {  	p0 =	seq.s32 s2, $0x0;
	_ =	swait.ge [sflag:s24], $0x2000  }
.Ltmp0:
0x4f: {  	[sflag:s24] =	ssyncset.done $0x0;
	(pc) =	sbr.rel @p0 .LBB2_4-.Ltmp0, $4  }
0x50: {  	[sflag:s24] =	ssyncadd.s32 $0xFFFFE000  }
0x51: {  	_ =	swait.ge [sflag:s26], $0x2000  }
0x52: {  	[sflag:s26] =	ssyncset.done $0x0  }
0x53: {  	s28 =	sadd.s32 $0x4F80, s0;
	[sflag:s26] =	ssyncadd.s32 $0xFFFFE000  }
0x54: {  	s0 =	sadd.s32 $0x2800, s0  }
0x55: {  	[tilespmem:s23], [sflag:$0x1] =	stream.indirect.gather [spmem:s1], $0x40, s0, s22, $0xb8;
	[tilespmem:$0x1F7E0] =	vst v63  }
.Ltmp1:
0x56: {  	_ = 	snop;
	(pc) =	sbr.rel .LBB2_2-.Ltmp1, $4  }
0x57: {  	_ = 	snop  }
0x58: {  	[spmem:s3] =	stream.indirect.scatter.add.bf16 [tilespmem:s25], [sflag:$0x2], $0x40, s28, s22, $0xb8;
	[tilespmem:$0x1F7E0] =	vst v63  }
0x59: {  	s2 =	sadd.s32 $0x400, s2  }
0x5a: {  	[spmem:s4] =	stream.indirect.scatter.add.bf16 [tilespmem:s20], [sflag:$0x3], $0x10, s28, s22, $0xb8;
	[tilespmem:$0x1F7E0] =	vst v63  }
.LBB2_4:
0x5b: {  	[spmem:s3] =	stream.indirect.scatter.add.bf16 [tilespmem:s25], [sflag:$0x2], $0x40, s28, s22, $0xb8;
	[tilespmem:$0x1F7E0] =	vst v63  }
0x5c: {  	_ = 	snop  }
0x5d: {  	[spmem:s4] =	stream.indirect.scatter.add.bf16 [tilespmem:s20], [sflag:$0x3], $0x10, s28, s22, $0xb8;
	[tilespmem:$0x1F7E0] =	vst v63  }
0x5e: {  	_ =	swait.ge [sflag:s26], $0x2000  }
0x5f: {  	[sflag:s26] =	ssyncset.done $0x0  }
0x60: {  	[sflag:s26] =	ssyncadd.s32 $0xFFFFE000  }
0x61: {  	_ =	swait.ge [sflag:s30], $0x800  }
0x62: {  	s0 =	simm.s32 $0x4F;
	[sflag:s30] =	ssyncset.done $0x0  }
.LBB2_5:
0x63: {  	p0 =	sne.s32 s0, $0x1;
	s0 =	sadd.s32 $0xFFFFFFFF, s0;
	[sflag:s30] =	ssyncadd.s32 $0xFFFFF800  }
.Ltmp2:
0x64: {  	(pc) =	sbr.rel @p0 .LBB2_5-.Ltmp2, $3  }
0x65: {  	_ =	sdelay $0x1  }
0x66: {  	_ =	swait.ge [sflag:s30], $0x800  }
0x67: {  	[sflag:s30] =	ssyncset.done $0x0  }
0x68: {  	[sflag:s30] =	ssyncadd.s32 $0xFFFFF800  }
0x69: {  	[bflag:$0x0] =	sbarrier.arrive $0xFFFF  }
0x6a: {  	[hbm:s13], [sflag:s10] =	dma.local [spmem:s18], $0x1390  }
0x6b: {  	s31 =	sadd.s32 $0x1, s31;
	_ =	swait.ge [sflag:s17], $0x1390  }
0x6c: {  	p0 =	sne.s32 s31, s15;
	[sflag:s17] =	ssyncset.done $0x0  }
.Ltmp3:
0x6d: {  	[sflag:s17] =	ssyncadd.s32 $0xFFFFEC70;
	(pc) =	sbr.rel @p0 .LBB2_1-.Ltmp3, $4  }
0x6e: {  	[hbm:s14], [sflag:s10] =	dma.local [spmem:s19], $0x4E4  }
0x6f: {  	_ =	swait.ge [sflag:s17], $0x4E4  }
0x70: {  	[sflag:s17] =	ssyncset.done $0x0  }
0x71: {  	[sflag:s17] =	ssyncadd.s32 $0xFFFFFB1C  }
0x72: {  	_ =	sfence.sel $0x180000  }
0x73: {  	[bflag:$0x0] =	sbarrier.arrive $0xFFFF  }
0x74: {  	_ =	strace $0x90000047  }
0x75: {  	s0 =	stileid.u32;
	[bflag:$0x2] =	sbarrier.arrive $0xFFFF  }
0x76: {  	p0 =	sne.s32 s0, $0x0;
	s0 =	rddreg [dreg:$0x4]  }
0x77: {  	s0 =	sadd.s32 @!p0 $0x100000, s0  }
0x78: {  	[sflag:s0] =	ssyncadd.tile.s32 @!p0 $0x1;
	_ =	shalt  }
.Lfunc_end2:
_tile_overlayer_lowered:
.L_overlay_start_2:
0x79: {  	(tag) =	ssettag $0x2  }
0x7a: {  	s0 =	rddreg [dreg:$0x0];
	s2 =	stileid.u32  }
0x7b: {  	s1 =	rddreg [dreg:$0x1];
	p0 =	sne.s32 s2, $0x0  }
0x7c: {  	s3 =	rddreg [dreg:$0x2];
	[bflag:$0x3] =	sbarrier.arrive $0xFFFF;
	s2 =	simm.s32 @!p0 $0x1C04  }
0x7d: {  	[timem:s3], [sflag:s2] =	dma.local @!p0 [hbm:s0], s1  }
0x7e: {  	s0 =	simm.s32 @!p0 $0x4  }
0x7f: {  	_ =	swait.ge @!p0 [sflag:s0], s1  }
0x80: {  	s1 =	ssub.s32 @!p0 $0x0, s1;
	[sflag:s0] =	ssyncset.done @!p0 $0x0  }
0x81: {  	[sflag:s0] =	ssyncadd.s32 @!p0 s1  }
0x82: {  	[bflag:$0x3] =	sbarrier.arrive $0xFFFF  }
0x83: {  	_ =	shalt  }

</sc_bundles>
